<compile_context>
chip_gen: v7x
topology: tpu7x:2x2x1
jax: 0.10.2.dev20260603
libtpu: 0.0.44.dev20260713+nightly
codegen_flags: <defaults>
</compile_context>

<pallas_src>
import jax
import jax.numpy as jnp
from jax import lax
from jax.experimental import pallas as pl
from jax.experimental.pallas import tpu as pltpu
from jax.experimental.pallas import tpu_sc as plsc

BATCH = 4096
HIST = 200
EMB = 128
NB = BATCH * HIST
NC = 2
NS = 16
NW = NC * NS
ROWS_PER_W = NB // NW
CHUNK = 128
P = 4
SPAN = ROWS_PER_W // 2
NGROUP = SPAN // CHUNK


def _pipelined_gather(idx_hbm, table_sh, out_hbm, base, idx_all, rowsb,
                      gsems, wsems, first, last):
  pltpu.sync_copy(idx_hbm.at[pl.ds(base, SPAN)], idx_all)

  def idxref(g):
    return idx_all.at[pl.ds(g * CHUNK, CHUNK)]

  def gstart(g, b):
    pltpu.async_copy(table_sh.at[idxref(g)], rowsb[b], gsems[b])

  def gwait(g, b):
    pltpu.make_async_copy(table_sh.at[idxref(g)], rowsb[b], gsems[b]).wait()

  def wstart(g, b):
    start = base + g * CHUNK
    pltpu.async_copy(rowsb[b], out_hbm.at[pl.ds(start, CHUNK)], wsems[b])

  def wwait(b):
    pltpu.make_async_copy(rowsb[b], out_hbm.at[pl.ds(0, CHUNK)],
                          wsems[b]).wait()

  gstart(0, 0)
  for g in range(P - 1):
    if not first:
      wwait((g + 1) % P)
    gstart(g + 1, (g + 1) % P)
    gwait(g, g % P)
    wstart(g, g % P)

  def step(g, b):
    wwait((b + 1) % P)
    gstart(g + 1, (b + 1) % P)
    gwait(g, b)
    wstart(g, b)

  n_uniform = NGROUP - P
  def fori_body(s, _):
    g0 = P * s + (P - 1)
    for j in range(P):
      step(g0 + j, (P - 1 + j) % P)
    return _

  lax.fori_loop(0, n_uniform // P, fori_body, 0)
  for g in range(P - 1 + P * (n_uniform // P), NGROUP - 1):
    step(g, g % P)

  bl = (NGROUP - 1) % P
  wwait((bl + 1) % P)
  gwait(NGROUP - 1, bl)
  wstart(NGROUP - 1, bl)
  if last:
    for j in range(P - 1):
      wwait((bl + 2 + j) % P)


def _embed_body(dx_idx_hbm, proc_idx_hbm, wdx_hbm, wproc_hbm,
                out_dx_hbm, out_proc_hbm,
                idx_all,
                rows0, rows1, rows2, rows3,
                sh_dx, sh_proc,
                gsem0, gsem1, gsem2, gsem3,
                wsem0, wsem1, wsem2, wsem3):
  sid = lax.axis_index("s")
  wid = sid * NC + lax.axis_index("c")
  base = wid * ROWS_PER_W
  @pl.when(sid == 0)
  def _stage():
    pltpu.sync_copy(wdx_hbm, sh_dx)
    pltpu.sync_copy(wproc_hbm, sh_proc)
  plsc.subcore_barrier()
  rowsb = (rows0, rows1, rows2, rows3)
  gsems = (gsem0, gsem1, gsem2, gsem3)
  wsems = (wsem0, wsem1, wsem2, wsem3)
  phases = [(dx_idx_hbm, sh_dx, out_dx_hbm, 0),
            (proc_idx_hbm, sh_proc, out_proc_hbm, 0),
            (dx_idx_hbm, sh_dx, out_dx_hbm, SPAN),
            (proc_idx_hbm, sh_proc, out_proc_hbm, SPAN)]
  for i, (idx_hbm, table_sh, out_hbm, off) in enumerate(phases):
    _pipelined_gather(idx_hbm, table_sh, out_hbm, base + off,
                      idx_all, rowsb, gsems, wsems,
                      first=(i == 0), last=(i == len(phases) - 1))


@jax.jit
def _embed(dx_flat, proc_flat, W_dx, W_proc):
  mesh = plsc.VectorSubcoreMesh(core_axis_name="c", subcore_axis_name="s")
  return pl.kernel(
      _embed_body,
      out_type=(
          jax.ShapeDtypeStruct((NB, EMB), jnp.float32),
          jax.ShapeDtypeStruct((NB, EMB), jnp.float32),
      ),
      mesh=mesh,
      scratch_types=[
          pltpu.VMEM((SPAN,), jnp.int32),
          pltpu.VMEM((CHUNK, EMB), jnp.float32),
          pltpu.VMEM((CHUNK, EMB), jnp.float32),
          pltpu.VMEM((CHUNK, EMB), jnp.float32),
          pltpu.VMEM((CHUNK, EMB), jnp.float32),
          pltpu.VMEM_SHARED(W_dx.shape, jnp.float32),
          pltpu.VMEM_SHARED(W_proc.shape, jnp.float32),
          pltpu.SemaphoreType.DMA,
          pltpu.SemaphoreType.DMA,
          pltpu.SemaphoreType.DMA,
          pltpu.SemaphoreType.DMA,
          pltpu.SemaphoreType.DMA,
          pltpu.SemaphoreType.DMA,
          pltpu.SemaphoreType.DMA,
          pltpu.SemaphoreType.DMA,
      ],
  )(dx_flat, proc_flat, W_dx, W_proc)


def kernel(dx_ints, proc_ints, W_dx, W_proc, visit, max_num_codes):
  dx_flat = dx_ints.reshape(NB)
  proc_flat = proc_ints.reshape(NB)
  out_dx, out_proc = _embed(dx_flat, proc_flat, W_dx, W_proc)
  emb_dx = out_dx.reshape(BATCH, HIST, EMB)
  emb_proc = out_proc.reshape(BATCH, HIST, EMB)
  mask_dx = jnp.ones((BATCH, HIST, 1), dtype=jnp.float32)
  mask_proc = jnp.ones((BATCH, HIST, 1), dtype=jnp.float32)
  emb_visit = jnp.broadcast_to(visit[None, :, :], (1, visit.shape[0], EMB))
  mask_visit = jnp.ones((1, 1), dtype=jnp.float32)
  return (emb_dx, emb_proc, emb_visit, mask_dx, mask_proc, mask_visit)

# --- scband reference (transcript-rebuilt; emitter-appended) ---
"""Pipeline reference for scband-feature-embedder-23373212025170 (READ-ONLY COPY).

The authoritative reference and input builder live on the scoring server;
editing this copy changes nothing except your own understanding.
"""

import jax, jax.numpy as jnp
import numpy as np

BATCH = 4096
HIST = 200
EMB = 128
V_DX = 3249
V_PROC = 2210


def setup_inputs(seed: int = 0) -> dict:
    key = jax.random.key(seed)
    k1, k2, k3, k4 = jax.random.split(key, 4)
    dx_ints = jax.random.randint(k1, (BATCH, HIST), 0, V_DX, dtype=jnp.int64 if jax.config.jax_enable_x64 else jnp.int32).astype(jnp.int32)
    proc_ints = jax.random.randint(k2, (BATCH, HIST), 0, V_PROC, dtype=jnp.int32)
    # nn.Embedding(num_embeddings=vocab+1, padding_idx=vocab): last row is zeros
    W_dx = jax.random.normal(k3, (V_DX + 1, EMB), dtype=jnp.float32)
    W_dx = W_dx.at[V_DX].set(0.0)
    W_proc = jax.random.normal(k4, (V_PROC + 1, EMB), dtype=jnp.float32)
    W_proc = W_proc.at[V_PROC].set(0.0)
    # self.embeddings['visit'] = nn.Parameter(torch.zeros(1, embedding_size))
    visit = jnp.zeros((1, EMB), dtype=jnp.float32)
    return {"dx_ints": dx_ints, "proc_ints": proc_ints, "W_dx": W_dx,
            "W_proc": W_proc, "visit": visit, "max_num_codes": HIST}


def reference(dx_ints, proc_ints, W_dx, W_proc, visit, max_num_codes):
    # embeddings[key] = self.embeddings[key](tensor.long())
    emb_dx = jnp.take(W_dx, dx_ints, axis=0)
    emb_proc = jnp.take(W_proc, proc_ints, axis=0)
    # masks[key] = torch.ones_like(tensor, float32).unsqueeze(-1)
    mask_dx = jnp.ones(dx_ints.shape, dtype=jnp.float32)[..., None]
    mask_proc = jnp.ones(proc_ints.shape, dtype=jnp.float32)[..., None]
    # batch_size = 1 (hardcoded in original forward)
    batch_size = 1
    emb_visit = jnp.broadcast_to(visit[None, :, :], (batch_size, visit.shape[0], visit.shape[1]))
    mask_visit = jnp.ones((batch_size, 1), dtype=jnp.float32)
    return (emb_dx, emb_proc, emb_visit, mask_dx, mask_proc, mask_visit)

if __name__ == "__main__":
    import jax
    _d = setup_inputs()
    print(jax.jit(kernel)(*tuple(_d.values())))

</pallas_src>

<mosaic_0001>
#map = affine_map<(d0, d1) -> (0)>
#map1 = affine_map<(d0, d1) -> (0, 0)>
module attributes {stable_mosaic.version = 14 : i64} {
  func.func @_embed_body(%arg0: i32, %arg1: i32, %arg2: memref<819200xi32, #tpu.memory_space<hbm>>, %arg3: memref<819200xi32, #tpu.memory_space<hbm>>, %arg4: memref<3250x128xf32, #tpu.memory_space<hbm>>, %arg5: memref<2211x128xf32, #tpu.memory_space<hbm>>, %arg6: memref<819200x128xf32, #tpu.memory_space<hbm>>, %arg7: memref<819200x128xf32, #tpu.memory_space<hbm>>, %arg8: memref<12800xi32, #tpu.memory_space<vmem>>, %arg9: memref<128x128xf32, #tpu.memory_space<vmem>>, %arg10: memref<128x128xf32, #tpu.memory_space<vmem>>, %arg11: memref<128x128xf32, #tpu.memory_space<vmem>>, %arg12: memref<128x128xf32, #tpu.memory_space<vmem>>, %arg13: memref<3250x128xf32, #tpu.memory_space<vmem_shared>>, %arg14: memref<2211x128xf32, #tpu.memory_space<vmem_shared>>, %arg15: memref<!tpu.dma_semaphore, #tpu.memory_space<semaphore_mem>>, %arg16: memref<!tpu.dma_semaphore, #tpu.memory_space<semaphore_mem>>, %arg17: memref<!tpu.dma_semaphore, #tpu.memory_space<semaphore_mem>>, %arg18: memref<!tpu.dma_semaphore, #tpu.memory_space<semaphore_mem>>, %arg19: memref<!tpu.dma_semaphore, #tpu.memory_space<semaphore_mem>>, %arg20: memref<!tpu.dma_semaphore, #tpu.memory_space<semaphore_mem>>, %arg21: memref<!tpu.dma_semaphore, #tpu.memory_space<semaphore_mem>>, %arg22: memref<!tpu.dma_semaphore, #tpu.memory_space<semaphore_mem>>) attributes {dimension_semantics = [#tpu.dimension_semantics<core_parallel>, #tpu.dimension_semantics<subcore_parallel>], iteration_bounds = array<i64: 2, 16>, scalar_prefetch = 0 : i64, scratch_operands = 15 : i64, tpu.core_type = #tpu.core_type<sc_vector_subcore>, window_params = [{transform_indices = #map}, {transform_indices = #map}, {transform_indices = #map1}, {transform_indices = #map1}, {transform_indices = #map1}, {transform_indices = #map1}]} {
    %mul3A = arith.constant 2 : i32
    %mul3A_0 = arith.muli %arg1, %mul3A : i32
    %add3A = arith.addi %mul3A_0, %arg0 : i32
    %mul3A_1 = arith.constant 25600 : i32
    %mul3A_2 = arith.muli %add3A, %mul3A_1 : i32
    %eq3A = arith.constant 0 : i32
    %eq3A_3 = arith.cmpi eq, %arg1, %eq3A : i32
    %convert_element_type3A = arith.extui %eq3A_3 : i1 to i32
    %cond3A = arith.constant 0 : i32
    %cond3A_4 = arith.cmpi ne, %convert_element_type3A, %cond3A : i32
    scf.if %cond3A_4 {
      "tpu.region"() ({
        %run_scoped3A = tpu.sem_alloc : memref<!tpu.dma_semaphore, #tpu.memory_space<semaphore_mem>>
        tpu.enqueue_dma source(%arg4 : memref<3250x128xf32, #tpu.memory_space<hbm>>) target(%arg13 : memref<3250x128xf32, #tpu.memory_space<vmem_shared>>) target_semaphore(%run_scoped3A : memref<!tpu.dma_semaphore, #tpu.memory_space<semaphore_mem>>)
        tpu.wait_dma2 semaphore(%run_scoped3A : memref<!tpu.dma_semaphore, #tpu.memory_space<semaphore_mem>>) src(%arg4 : memref<3250x128xf32, #tpu.memory_space<hbm>>) dst(%arg13 : memref<3250x128xf32, #tpu.memory_space<vmem_shared>>)
        tpu.yield
      }) : () -> ()
      "tpu.region"() ({
        %run_scoped3A = tpu.sem_alloc : memref<!tpu.dma_semaphore, #tpu.memory_space<semaphore_mem>>
        tpu.enqueue_dma source(%arg5 : memref<2211x128xf32, #tpu.memory_space<hbm>>) target(%arg14 : memref<2211x128xf32, #tpu.memory_space<vmem_shared>>) target_semaphore(%run_scoped3A : memref<!tpu.dma_semaphore, #tpu.memory_space<semaphore_mem>>)
        tpu.wait_dma2 semaphore(%run_scoped3A : memref<!tpu.dma_semaphore, #tpu.memory_space<semaphore_mem>>) src(%arg5 : memref<2211x128xf32, #tpu.memory_space<hbm>>) dst(%arg14 : memref<2211x128xf32, #tpu.memory_space<vmem_shared>>)
        tpu.yield
      }) : () -> ()
    } else {
    }
    %barrier3A = arith.constant 0 : index
    tpu.barrier barrier_id(%barrier3A)
    %add3A_5 = arith.constant 0 : i32
    %add3A_6 = arith.addi %mul3A_2, %add3A_5 : i32
    "tpu.region"() ({
      %run_scoped3A = tpu.sem_alloc : memref<!tpu.dma_semaphore, #tpu.memory_space<semaphore_mem>>
      %dma_start3A_386 = tpu.memref_slice %arg2[%add3A_6] : memref<819200xi32, #tpu.memory_space<hbm>> -> memref<12800xi32, #tpu.memory_space<hbm>>
      %dma_start3A_387 = tpu.memref_slice %arg2[%add3A_6] : memref<819200xi32, #tpu.memory_space<hbm>> -> memref<12800xi32, #tpu.memory_space<hbm>>
      tpu.enqueue_dma source(%dma_start3A_387 : memref<12800xi32, #tpu.memory_space<hbm>>) target(%arg8 : memref<12800xi32, #tpu.memory_space<vmem>>) target_semaphore(%run_scoped3A : memref<!tpu.dma_semaphore, #tpu.memory_space<semaphore_mem>>)
      %dma_wait3A_388 = tpu.memref_slice %arg2[%add3A_6] : memref<819200xi32, #tpu.memory_space<hbm>> -> memref<12800xi32, #tpu.memory_space<hbm>>
      %dma_wait3A_389 = tpu.memref_slice %arg2[%add3A_6] : memref<819200xi32, #tpu.memory_space<hbm>> -> memref<12800xi32, #tpu.memory_space<hbm>>
      tpu.wait_dma2 semaphore(%run_scoped3A : memref<!tpu.dma_semaphore, #tpu.memory_space<semaphore_mem>>) src(%dma_wait3A_389 : memref<12800xi32, #tpu.memory_space<hbm>>) dst(%arg8 : memref<12800xi32, #tpu.memory_space<vmem>>)
      tpu.yield
    }) : () -> ()
    %dma_start3A = arith.constant 0 : i32
    %dma_start3A_7 = tpu.memref_slice %arg8[%dma_start3A] : memref<12800xi32, #tpu.memory_space<vmem>> -> memref<128xi32, #tpu.memory_space<vmem>>
    %dma_start3A_8 = arith.constant 0 : i32
    %dma_start3A_9 = arith.constant 0 : i32
    %dma_start3A_10 = tpu.memref_slice %arg13[%dma_start3A_8, %dma_start3A_9] : memref<3250x128xf32, #tpu.memory_space<vmem_shared>> -> memref<3250x128xf32, #tpu.memory_space<vmem_shared>>
    tpu.enqueue_indirect_dma source(%dma_start3A_10 : memref<3250x128xf32, #tpu.memory_space<vmem_shared>>) target(%arg9 : memref<128x128xf32, #tpu.memory_space<vmem>>) offsets(%dma_start3A_7 : memref<128xi32, #tpu.memory_space<vmem>>) semaphore(%arg15 : memref<!tpu.dma_semaphore, #tpu.memory_space<semaphore_mem>>)
    %dma_start3A_11 = arith.constant 128 : i32
    %dma_start3A_12 = tpu.memref_slice %arg8[%dma_start3A_11] : memref<12800xi32, #tpu.memory_space<vmem>> -> memref<128xi32, #tpu.memory_space<vmem>>
    %dma_start3A_13 = arith.constant 0 : i32
    %dma_start3A_14 = arith.constant 0 : i32
    %dma_start3A_15 = tpu.memref_slice %arg13[%dma_start3A_13, %dma_start3A_14] : memref<3250x128xf32, #tpu.memory_space<vmem_shared>> -> memref<3250x128xf32, #tpu.memory_space<vmem_shared>>
    tpu.enqueue_indirect_dma source(%dma_start3A_15 : memref<3250x128xf32, #tpu.memory_space<vmem_shared>>) target(%arg10 : memref<128x128xf32, #tpu.memory_space<vmem>>) offsets(%dma_start3A_12 : memref<128xi32, #tpu.memory_space<vmem>>) semaphore(%arg16 : memref<!tpu.dma_semaphore, #tpu.memory_space<semaphore_mem>>)
    %dma_wait3A = arith.constant 0 : i32
    %dma_wait3A_16 = tpu.memref_slice %arg8[%dma_wait3A] : memref<12800xi32, #tpu.memory_space<vmem>> -> memref<128xi32, #tpu.memory_space<vmem>>
    %dma_wait3A_17 = arith.constant 0 : i32
    %dma_wait3A_18 = arith.constant 0 : i32
    %dma_wait3A_19 = tpu.memref_slice %arg13[%dma_wait3A_17, %dma_wait3A_18] : memref<3250x128xf32, #tpu.memory_space<vmem_shared>> -> memref<3250x128xf32, #tpu.memory_space<vmem_shared>>
    tpu.wait_indirect_dma semaphore(%arg15 : memref<!tpu.dma_semaphore, #tpu.memory_space<semaphore_mem>>) src(%dma_wait3A_19 : memref<3250x128xf32, #tpu.memory_space<vmem_shared>>) dst(%arg9 : memref<128x128xf32, #tpu.memory_space<vmem>>)
    %add3A_20 = arith.constant 0 : i32
    %add3A_21 = arith.addi %add3A_6, %add3A_20 : i32
    %dma_start3A_22 = arith.constant 0 : i32
    %dma_start3A_23 = tpu.memref_slice %arg6[%add3A_21, %dma_start3A_22] : memref<819200x128xf32, #tpu.memory_space<hbm>> -> memref<128x128xf32, #tpu.memory_space<hbm>>
    %dma_start3A_24 = arith.constant 0 : i32
    %dma_start3A_25 = tpu.memref_slice %arg6[%add3A_21, %dma_start3A_24] : memref<819200x128xf32, #tpu.memory_space<hbm>> -> memref<128x128xf32, #tpu.memory_space<hbm>>
    tpu.enqueue_dma source(%arg9 : memref<128x128xf32, #tpu.memory_space<vmem>>) target(%dma_start3A_25 : memref<128x128xf32, #tpu.memory_space<hbm>>) target_semaphore(%arg19 : memref<!tpu.dma_semaphore, #tpu.memory_space<semaphore_mem>>)
    %dma_start3A_26 = arith.constant 256 : i32
    %dma_start3A_27 = tpu.memref_slice %arg8[%dma_start3A_26] : memref<12800xi32, #tpu.memory_space<vmem>> -> memref<128xi32, #tpu.memory_space<vmem>>
    %dma_start3A_28 = arith.constant 0 : i32
    %dma_start3A_29 = arith.constant 0 : i32
    %dma_start3A_30 = tpu.memref_slice %arg13[%dma_start3A_28, %dma_start3A_29] : memref<3250x128xf32, #tpu.memory_space<vmem_shared>> -> memref<3250x128xf32, #tpu.memory_space<vmem_shared>>
    tpu.enqueue_indirect_dma source(%dma_start3A_30 : memref<3250x128xf32, #tpu.memory_space<vmem_shared>>) target(%arg11 : memref<128x128xf32, #tpu.memory_space<vmem>>) offsets(%dma_start3A_27 : memref<128xi32, #tpu.memory_space<vmem>>) semaphore(%arg17 : memref<!tpu.dma_semaphore, #tpu.memory_space<semaphore_mem>>)
    %dma_wait3A_31 = arith.constant 128 : i32
    %dma_wait3A_32 = tpu.memref_slice %arg8[%dma_wait3A_31] : memref<12800xi32, #tpu.memory_space<vmem>> -> memref<128xi32, #tpu.memory_space<vmem>>
    %dma_wait3A_33 = arith.constant 0 : i32
    %dma_wait3A_34 = arith.constant 0 : i32
    %dma_wait3A_35 = tpu.memref_slice %arg13[%dma_wait3A_33, %dma_wait3A_34] : memref<3250x128xf32, #tpu.memory_space<vmem_shared>> -> memref<3250x128xf32, #tpu.memory_space<vmem_shared>>
    tpu.wait_indirect_dma semaphore(%arg16 : memref<!tpu.dma_semaphore, #tpu.memory_space<semaphore_mem>>) src(%dma_wait3A_35 : memref<3250x128xf32, #tpu.memory_space<vmem_shared>>) dst(%arg10 : memref<128x128xf32, #tpu.memory_space<vmem>>)
    %add3A_36 = arith.constant 128 : i32
    %add3A_37 = arith.addi %add3A_6, %add3A_36 : i32
    %dma_start3A_38 = arith.constant 0 : i32
    %dma_start3A_39 = tpu.memref_slice %arg6[%add3A_37, %dma_start3A_38] : memref<819200x128xf32, #tpu.memory_space<hbm>> -> memref<128x128xf32, #tpu.memory_space<hbm>>
    %dma_start3A_40 = arith.constant 0 : i32
    %dma_start3A_41 = tpu.memref_slice %arg6[%add3A_37, %dma_start3A_40] : memref<819200x128xf32, #tpu.memory_space<hbm>> -> memref<128x128xf32, #tpu.memory_space<hbm>>
    tpu.enqueue_dma source(%arg10 : memref<128x128xf32, #tpu.memory_space<vmem>>) target(%dma_start3A_41 : memref<128x128xf32, #tpu.memory_space<hbm>>) target_semaphore(%arg20 : memref<!tpu.dma_semaphore, #tpu.memory_space<semaphore_mem>>)
    %dma_start3A_42 = arith.constant 384 : i32
    %dma_start3A_43 = tpu.memref_slice %arg8[%dma_start3A_42] : memref<12800xi32, #tpu.memory_space<vmem>> -> memref<128xi32, #tpu.memory_space<vmem>>
    %dma_start3A_44 = arith.constant 0 : i32
    %dma_start3A_45 = arith.constant 0 : i32
    %dma_start3A_46 = tpu.memref_slice %arg13[%dma_start3A_44, %dma_start3A_45] : memref<3250x128xf32, #tpu.memory_space<vmem_shared>> -> memref<3250x128xf32, #tpu.memory_space<vmem_shared>>
    tpu.enqueue_indirect_dma source(%dma_start3A_46 : memref<3250x128xf32, #tpu.memory_space<vmem_shared>>) target(%arg12 : memref<128x128xf32, #tpu.memory_space<vmem>>) offsets(%dma_start3A_43 : memref<128xi32, #tpu.memory_space<vmem>>) semaphore(%arg18 : memref<!tpu.dma_semaphore, #tpu.memory_space<semaphore_mem>>)
    %dma_wait3A_47 = arith.constant 256 : i32
    %dma_wait3A_48 = tpu.memref_slice %arg8[%dma_wait3A_47] : memref<12800xi32, #tpu.memory_space<vmem>> -> memref<128xi32, #tpu.memory_space<vmem>>
    %dma_wait3A_49 = arith.constant 0 : i32
    %dma_wait3A_50 = arith.constant 0 : i32
    %dma_wait3A_51 = tpu.memref_slice %arg13[%dma_wait3A_49, %dma_wait3A_50] : memref<3250x128xf32, #tpu.memory_space<vmem_shared>> -> memref<3250x128xf32, #tpu.memory_space<vmem_shared>>
    tpu.wait_indirect_dma semaphore(%arg17 : memref<!tpu.dma_semaphore, #tpu.memory_space<semaphore_mem>>) src(%dma_wait3A_51 : memref<3250x128xf32, #tpu.memory_space<vmem_shared>>) dst(%arg11 : memref<128x128xf32, #tpu.memory_space<vmem>>)
    %add3A_52 = arith.constant 256 : i32
    %add3A_53 = arith.addi %add3A_6, %add3A_52 : i32
    %dma_start3A_54 = arith.constant 0 : i32
    %dma_start3A_55 = tpu.memref_slice %arg6[%add3A_53, %dma_start3A_54] : memref<819200x128xf32, #tpu.memory_space<hbm>> -> memref<128x128xf32, #tpu.memory_space<hbm>>
    %dma_start3A_56 = arith.constant 0 : i32
    %dma_start3A_57 = tpu.memref_slice %arg6[%add3A_53, %dma_start3A_56] : memref<819200x128xf32, #tpu.memory_space<hbm>> -> memref<128x128xf32, #tpu.memory_space<hbm>>
    tpu.enqueue_dma source(%arg11 : memref<128x128xf32, #tpu.memory_space<vmem>>) target(%dma_start3A_57 : memref<128x128xf32, #tpu.memory_space<hbm>>) target_semaphore(%arg21 : memref<!tpu.dma_semaphore, #tpu.memory_space<semaphore_mem>>)
    %scan3A = arith.constant 0 : i32
    %scan3A_58 = arith.constant 0 : i32
    %scan3A_59 = arith.constant 24 : i32
    %scan3A_60 = arith.addi %scan3A_58, %scan3A_59 : i32
    %scan3A_61 = arith.constant 1 : i32
    scf.for %scan3A_386 = %scan3A_58 to %scan3A_60 step %scan3A_61  : i32 {
      %mul3A_387 = arith.constant 4 : i32
      %mul3A_388 = arith.muli %mul3A_387, %scan3A_386 : i32
      %add3A_389 = arith.constant 3 : i32
      %add3A_390 = arith.addi %mul3A_388, %add3A_389 : i32
      %add3A_391 = arith.constant 0 : i32
      %add3A_392 = arith.addi %add3A_390, %add3A_391 : i32
      %dma_wait3A_393 = arith.constant 0 : i32
      %dma_wait3A_394 = arith.constant 0 : i32
      %dma_wait3A_395 = tpu.memref_slice %arg6[%dma_wait3A_393, %dma_wait3A_394] : memref<819200x128xf32, #tpu.memory_space<hbm>> -> memref<128x128xf32, #tpu.memory_space<hbm>>
      %dma_wait3A_396 = arith.constant 0 : i32
      %dma_wait3A_397 = arith.constant 0 : i32
      %dma_wait3A_398 = tpu.memref_slice %arg6[%dma_wait3A_396, %dma_wait3A_397] : memref<819200x128xf32, #tpu.memory_space<hbm>> -> memref<128x128xf32, #tpu.memory_space<hbm>>
      tpu.wait_dma2 semaphore(%arg19 : memref<!tpu.dma_semaphore, #tpu.memory_space<semaphore_mem>>) src(%arg9 : memref<128x128xf32, #tpu.memory_space<vmem>>) dst(%dma_wait3A_398 : memref<128x128xf32, #tpu.memory_space<hbm>>)
      %add3A_399 = arith.constant 1 : i32
      %add3A_400 = arith.addi %add3A_392, %add3A_399 : i32
      %mul3A_401 = arith.constant 128 : i32
      %mul3A_402 = arith.muli %add3A_400, %mul3A_401 : i32
      %dma_start3A_403 = tpu.memref_slice %arg8[%mul3A_402] : memref<12800xi32, #tpu.memory_space<vmem>> -> memref<128xi32, #tpu.memory_space<vmem>>
      %dma_start3A_404 = arith.constant 0 : i32
      %dma_start3A_405 = arith.constant 0 : i32
      %dma_start3A_406 = tpu.memref_slice %arg13[%dma_start3A_404, %dma_start3A_405] : memref<3250x128xf32, #tpu.memory_space<vmem_shared>> -> memref<3250x128xf32, #tpu.memory_space<vmem_shared>>
      tpu.enqueue_indirect_dma source(%dma_start3A_406 : memref<3250x128xf32, #tpu.memory_space<vmem_shared>>) target(%arg9 : memref<128x128xf32, #tpu.memory_space<vmem>>) offsets(%dma_start3A_403 : memref<128xi32, #tpu.memory_space<vmem>>) semaphore(%arg15 : memref<!tpu.dma_semaphore, #tpu.memory_space<semaphore_mem>>)
      %mul3A_407 = arith.constant 128 : i32
      %mul3A_408 = arith.muli %add3A_392, %mul3A_407 : i32
      %dma_wait3A_409 = tpu.memref_slice %arg8[%mul3A_408] : memref<12800xi32, #tpu.memory_space<vmem>> -> memref<128xi32, #tpu.memory_space<vmem>>
      %dma_wait3A_410 = arith.constant 0 : i32
      %dma_wait3A_411 = arith.constant 0 : i32
      %dma_wait3A_412 = tpu.memref_slice %arg13[%dma_wait3A_410, %dma_wait3A_411] : memref<3250x128xf32, #tpu.memory_space<vmem_shared>> -> memref<3250x128xf32, #tpu.memory_space<vmem_shared>>
      tpu.wait_indirect_dma semaphore(%arg18 : memref<!tpu.dma_semaphore, #tpu.memory_space<semaphore_mem>>) src(%dma_wait3A_412 : memref<3250x128xf32, #tpu.memory_space<vmem_shared>>) dst(%arg12 : memref<128x128xf32, #tpu.memory_space<vmem>>)
      %mul3A_413 = arith.constant 128 : i32
      %mul3A_414 = arith.muli %add3A_392, %mul3A_413 : i32
      %add3A_415 = arith.addi %add3A_6, %mul3A_414 : i32
      %dma_start3A_416 = arith.constant 0 : i32
      %dma_start3A_417 = tpu.memref_slice %arg6[%add3A_415, %dma_start3A_416] : memref<819200x128xf32, #tpu.memory_space<hbm>> -> memref<128x128xf32, #tpu.memory_space<hbm>>
      %dma_start3A_418 = arith.constant 0 : i32
      %dma_start3A_419 = tpu.memref_slice %arg6[%add3A_415, %dma_start3A_418] : memref<819200x128xf32, #tpu.memory_space<hbm>> -> memref<128x128xf32, #tpu.memory_space<hbm>>
      tpu.enqueue_dma source(%arg12 : memref<128x128xf32, #tpu.memory_space<vmem>>) target(%dma_start3A_419 : memref<128x128xf32, #tpu.memory_space<hbm>>) target_semaphore(%arg22 : memref<!tpu.dma_semaphore, #tpu.memory_space<semaphore_mem>>)
      %add3A_420 = arith.constant 1 : i32
      %add3A_421 = arith.addi %add3A_390, %add3A_420 : i32
      %dma_wait3A_422 = arith.constant 0 : i32
      %dma_wait3A_423 = arith.constant 0 : i32
      %dma_wait3A_424 = tpu.memref_slice %arg6[%dma_wait3A_422, %dma_wait3A_423] : memref<819200x128xf32, #tpu.memory_space<hbm>> -> memref<128x128xf32, #tpu.memory_space<hbm>>
      %dma_wait3A_425 = arith.constant 0 : i32
      %dma_wait3A_426 = arith.constant 0 : i32
      %dma_wait3A_427 = tpu.memref_slice %arg6[%dma_wait3A_425, %dma_wait3A_426] : memref<819200x128xf32, #tpu.memory_space<hbm>> -> memref<128x128xf32, #tpu.memory_space<hbm>>
      tpu.wait_dma2 semaphore(%arg20 : memref<!tpu.dma_semaphore, #tpu.memory_space<semaphore_mem>>) src(%arg10 : memref<128x128xf32, #tpu.memory_space<vmem>>) dst(%dma_wait3A_427 : memref<128x128xf32, #tpu.memory_space<hbm>>)
      %add3A_428 = arith.constant 1 : i32
      %add3A_429 = arith.addi %add3A_421, %add3A_428 : i32
      %mul3A_430 = arith.constant 128 : i32
      %mul3A_431 = arith.muli %add3A_429, %mul3A_430 : i32
      %dma_start3A_432 = tpu.memref_slice %arg8[%mul3A_431] : memref<12800xi32, #tpu.memory_space<vmem>> -> memref<128xi32, #tpu.memory_space<vmem>>
      %dma_start3A_433 = arith.constant 0 : i32
      %dma_start3A_434 = arith.constant 0 : i32
      %dma_start3A_435 = tpu.memref_slice %arg13[%dma_start3A_433, %dma_start3A_434] : memref<3250x128xf32, #tpu.memory_space<vmem_shared>> -> memref<3250x128xf32, #tpu.memory_space<vmem_shared>>
      tpu.enqueue_indirect_dma source(%dma_start3A_435 : memref<3250x128xf32, #tpu.memory_space<vmem_shared>>) target(%arg10 : memref<128x128xf32, #tpu.memory_space<vmem>>) offsets(%dma_start3A_432 : memref<128xi32, #tpu.memory_space<vmem>>) semaphore(%arg16 : memref<!tpu.dma_semaphore, #tpu.memory_space<semaphore_mem>>)
      %mul3A_436 = arith.constant 128 : i32
      %mul3A_437 = arith.muli %add3A_421, %mul3A_436 : i32
      %dma_wait3A_438 = tpu.memref_slice %arg8[%mul3A_437] : memref<12800xi32, #tpu.memory_space<vmem>> -> memref<128xi32, #tpu.memory_space<vmem>>
      %dma_wait3A_439 = arith.constant 0 : i32
      %dma_wait3A_440 = arith.constant 0 : i32
      %dma_wait3A_441 = tpu.memref_slice %arg13[%dma_wait3A_439, %dma_wait3A_440] : memref<3250x128xf32, #tpu.memory_space<vmem_shared>> -> memref<3250x128xf32, #tpu.memory_space<vmem_shared>>
      tpu.wait_indirect_dma semaphore(%arg15 : memref<!tpu.dma_semaphore, #tpu.memory_space<semaphore_mem>>) src(%dma_wait3A_441 : memref<3250x128xf32, #tpu.memory_space<vmem_shared>>) dst(%arg9 : memref<128x128xf32, #tpu.memory_space<vmem>>)
      %mul3A_442 = arith.constant 128 : i32
      %mul3A_443 = arith.muli %add3A_421, %mul3A_442 : i32
      %add3A_444 = arith.addi %add3A_6, %mul3A_443 : i32
      %dma_start3A_445 = arith.constant 0 : i32
      %dma_start3A_446 = tpu.memref_slice %arg6[%add3A_444, %dma_start3A_445] : memref<819200x128xf32, #tpu.memory_space<hbm>> -> memref<128x128xf32, #tpu.memory_space<hbm>>
      %dma_start3A_447 = arith.constant 0 : i32
      %dma_start3A_448 = tpu.memref_slice %arg6[%add3A_444, %dma_start3A_447] : memref<819200x128xf32, #tpu.memory_space<hbm>> -> memref<128x128xf32, #tpu.memory_space<hbm>>
      tpu.enqueue_dma source(%arg9 : memref<128x128xf32, #tpu.memory_space<vmem>>) target(%dma_start3A_448 : memref<128x128xf32, #tpu.memory_space<hbm>>) target_semaphore(%arg19 : memref<!tpu.dma_semaphore, #tpu.memory_space<semaphore_mem>>)
      %add3A_449 = arith.constant 2 : i32
      %add3A_450 = arith.addi %add3A_390, %add3A_449 : i32
      %dma_wait3A_451 = arith.constant 0 : i32
      %dma_wait3A_452 = arith.constant 0 : i32
      %dma_wait3A_453 = tpu.memref_slice %arg6[%dma_wait3A_451, %dma_wait3A_452] : memref<819200x128xf32, #tpu.memory_space<hbm>> -> memref<128x128xf32, #tpu.memory_space<hbm>>
      %dma_wait3A_454 = arith.constant 0 : i32
      %dma_wait3A_455 = arith.constant 0 : i32
      %dma_wait3A_456 = tpu.memref_slice %arg6[%dma_wait3A_454, %dma_wait3A_455] : memref<819200x128xf32, #tpu.memory_space<hbm>> -> memref<128x128xf32, #tpu.memory_space<hbm>>
      tpu.wait_dma2 semaphore(%arg21 : memref<!tpu.dma_semaphore, #tpu.memory_space<semaphore_mem>>) src(%arg11 : memref<128x128xf32, #tpu.memory_space<vmem>>) dst(%dma_wait3A_456 : memref<128x128xf32, #tpu.memory_space<hbm>>)
      %add3A_457 = arith.constant 1 : i32
      %add3A_458 = arith.addi %add3A_450, %add3A_457 : i32
      %mul3A_459 = arith.constant 128 : i32
      %mul3A_460 = arith.muli %add3A_458, %mul3A_459 : i32
      %dma_start3A_461 = tpu.memref_slice %arg8[%mul3A_460] : memref<12800xi32, #tpu.memory_space<vmem>> -> memref<128xi32, #tpu.memory_space<vmem>>
      %dma_start3A_462 = arith.constant 0 : i32
      %dma_start3A_463 = arith.constant 0 : i32
      %dma_start3A_464 = tpu.memref_slice %arg13[%dma_start3A_462, %dma_start3A_463] : memref<3250x128xf32, #tpu.memory_space<vmem_shared>> -> memref<3250x128xf32, #tpu.memory_space<vmem_shared>>
      tpu.enqueue_indirect_dma source(%dma_start3A_464 : memref<3250x128xf32, #tpu.memory_space<vmem_shared>>) target(%arg11 : memref<128x128xf32, #tpu.memory_space<vmem>>) offsets(%dma_start3A_461 : memref<128xi32, #tpu.memory_space<vmem>>) semaphore(%arg17 : memref<!tpu.dma_semaphore, #tpu.memory_space<semaphore_mem>>)
      %mul3A_465 = arith.constant 128 : i32
      %mul3A_466 = arith.muli %add3A_450, %mul3A_465 : i32
      %dma_wait3A_467 = tpu.memref_slice %arg8[%mul3A_466] : memref<12800xi32, #tpu.memory_space<vmem>> -> memref<128xi32, #tpu.memory_space<vmem>>
      %dma_wait3A_468 = arith.constant 0 : i32
      %dma_wait3A_469 = arith.constant 0 : i32
      %dma_wait3A_470 = tpu.memref_slice %arg13[%dma_wait3A_468, %dma_wait3A_469] : memref<3250x128xf32, #tpu.memory_space<vmem_shared>> -> memref<3250x128xf32, #tpu.memory_space<vmem_shared>>
      tpu.wait_indirect_dma semaphore(%arg16 : memref<!tpu.dma_semaphore, #tpu.memory_space<semaphore_mem>>) src(%dma_wait3A_470 : memref<3250x128xf32, #tpu.memory_space<vmem_shared>>) dst(%arg10 : memref<128x128xf32, #tpu.memory_space<vmem>>)
      %mul3A_471 = arith.constant 128 : i32
      %mul3A_472 = arith.muli %add3A_450, %mul3A_471 : i32
      %add3A_473 = arith.addi %add3A_6, %mul3A_472 : i32
      %dma_start3A_474 = arith.constant 0 : i32
      %dma_start3A_475 = tpu.memref_slice %arg6[%add3A_473, %dma_start3A_474] : memref<819200x128xf32, #tpu.memory_space<hbm>> -> memref<128x128xf32, #tpu.memory_space<hbm>>
      %dma_start3A_476 = arith.constant 0 : i32
      %dma_start3A_477 = tpu.memref_slice %arg6[%add3A_473, %dma_start3A_476] : memref<819200x128xf32, #tpu.memory_space<hbm>> -> memref<128x128xf32, #tpu.memory_space<hbm>>
      tpu.enqueue_dma source(%arg10 : memref<128x128xf32, #tpu.memory_space<vmem>>) target(%dma_start3A_477 : memref<128x128xf32, #tpu.memory_space<hbm>>) target_semaphore(%arg20 : memref<!tpu.dma_semaphore, #tpu.memory_space<semaphore_mem>>)
      %add3A_478 = arith.constant 3 : i32
      %add3A_479 = arith.addi %add3A_390, %add3A_478 : i32
      %dma_wait3A_480 = arith.constant 0 : i32
      %dma_wait3A_481 = arith.constant 0 : i32
      %dma_wait3A_482 = tpu.memref_slice %arg6[%dma_wait3A_480, %dma_wait3A_481] : memref<819200x128xf32, #tpu.memory_space<hbm>> -> memref<128x128xf32, #tpu.memory_space<hbm>>
      %dma_wait3A_483 = arith.constant 0 : i32
      %dma_wait3A_484 = arith.constant 0 : i32
      %dma_wait3A_485 = tpu.memref_slice %arg6[%dma_wait3A_483, %dma_wait3A_484] : memref<819200x128xf32, #tpu.memory_space<hbm>> -> memref<128x128xf32, #tpu.memory_space<hbm>>
      tpu.wait_dma2 semaphore(%arg22 : memref<!tpu.dma_semaphore, #tpu.memory_space<semaphore_mem>>) src(%arg12 : memref<128x128xf32, #tpu.memory_space<vmem>>) dst(%dma_wait3A_485 : memref<128x128xf32, #tpu.memory_space<hbm>>)
      %add3A_486 = arith.constant 1 : i32
      %add3A_487 = arith.addi %add3A_479, %add3A_486 : i32
      %mul3A_488 = arith.constant 128 : i32
      %mul3A_489 = arith.muli %add3A_487, %mul3A_488 : i32
      %dma_start3A_490 = tpu.memref_slice %arg8[%mul3A_489] : memref<12800xi32, #tpu.memory_space<vmem>> -> memref<128xi32, #tpu.memory_space<vmem>>
      %dma_start3A_491 = arith.constant 0 : i32
      %dma_start3A_492 = arith.constant 0 : i32
      %dma_start3A_493 = tpu.memref_slice %arg13[%dma_start3A_491, %dma_start3A_492] : memref<3250x128xf32, #tpu.memory_space<vmem_shared>> -> memref<3250x128xf32, #tpu.memory_space<vmem_shared>>
      tpu.enqueue_indirect_dma source(%dma_start3A_493 : memref<3250x128xf32, #tpu.memory_space<vmem_shared>>) target(%arg12 : memref<128x128xf32, #tpu.memory_space<vmem>>) offsets(%dma_start3A_490 : memref<128xi32, #tpu.memory_space<vmem>>) semaphore(%arg18 : memref<!tpu.dma_semaphore, #tpu.memory_space<semaphore_mem>>)
      %mul3A_494 = arith.constant 128 : i32
      %mul3A_495 = arith.muli %add3A_479, %mul3A_494 : i32
      %dma_wait3A_496 = tpu.memref_slice %arg8[%mul3A_495] : memref<12800xi32, #tpu.memory_space<vmem>> -> memref<128xi32, #tpu.memory_space<vmem>>
      %dma_wait3A_497 = arith.constant 0 : i32
      %dma_wait3A_498 = arith.constant 0 : i32
      %dma_wait3A_499 = tpu.memref_slice %arg13[%dma_wait3A_497, %dma_wait3A_498] : memref<3250x128xf32, #tpu.memory_space<vmem_shared>> -> memref<3250x128xf32, #tpu.memory_space<vmem_shared>>
      tpu.wait_indirect_dma semaphore(%arg17 : memref<!tpu.dma_semaphore, #tpu.memory_space<semaphore_mem>>) src(%dma_wait3A_499 : memref<3250x128xf32, #tpu.memory_space<vmem_shared>>) dst(%arg11 : memref<128x128xf32, #tpu.memory_space<vmem>>)
      %mul3A_500 = arith.constant 128 : i32
      %mul3A_501 = arith.muli %add3A_479, %mul3A_500 : i32
      %add3A_502 = arith.addi %add3A_6, %mul3A_501 : i32
      %dma_start3A_503 = arith.constant 0 : i32
      %dma_start3A_504 = tpu.memref_slice %arg6[%add3A_502, %dma_start3A_503] : memref<819200x128xf32, #tpu.memory_space<hbm>> -> memref<128x128xf32, #tpu.memory_space<hbm>>
      %dma_start3A_505 = arith.constant 0 : i32
      %dma_start3A_506 = tpu.memref_slice %arg6[%add3A_502, %dma_start3A_505] : memref<819200x128xf32, #tpu.memory_space<hbm>> -> memref<128x128xf32, #tpu.memory_space<hbm>>
      tpu.enqueue_dma source(%arg11 : memref<128x128xf32, #tpu.memory_space<vmem>>) target(%dma_start3A_506 : memref<128x128xf32, #tpu.memory_space<hbm>>) target_semaphore(%arg21 : memref<!tpu.dma_semaphore, #tpu.memory_space<semaphore_mem>>)
    }
    %scan3A_62 = arith.constant 24 : i32
    %dma_wait3A_63 = arith.constant 0 : i32
    %dma_wait3A_64 = arith.constant 0 : i32
    %dma_wait3A_65 = tpu.memref_slice %arg6[%dma_wait3A_63, %dma_wait3A_64] : memref<819200x128xf32, #tpu.memory_space<hbm>> -> memref<128x128xf32, #tpu.memory_space<hbm>>
    %dma_wait3A_66 = arith.constant 0 : i32
    %dma_wait3A_67 = arith.constant 0 : i32
    %dma_wait3A_68 = tpu.memref_slice %arg6[%dma_wait3A_66, %dma_wait3A_67] : memref<819200x128xf32, #tpu.memory_space<hbm>> -> memref<128x128xf32, #tpu.memory_space<hbm>>
    tpu.wait_dma2 semaphore(%arg19 : memref<!tpu.dma_semaphore, #tpu.memory_space<semaphore_mem>>) src(%arg9 : memref<128x128xf32, #tpu.memory_space<vmem>>) dst(%dma_wait3A_68 : memref<128x128xf32, #tpu.memory_space<hbm>>)
    %dma_wait3A_69 = arith.constant 12672 : i32
    %dma_wait3A_70 = tpu.memref_slice %arg8[%dma_wait3A_69] : memref<12800xi32, #tpu.memory_space<vmem>> -> memref<128xi32, #tpu.memory_space<vmem>>
    %dma_wait3A_71 = arith.constant 0 : i32
    %dma_wait3A_72 = arith.constant 0 : i32
    %dma_wait3A_73 = tpu.memref_slice %arg13[%dma_wait3A_71, %dma_wait3A_72] : memref<3250x128xf32, #tpu.memory_space<vmem_shared>> -> memref<3250x128xf32, #tpu.memory_space<vmem_shared>>
    tpu.wait_indirect_dma semaphore(%arg18 : memref<!tpu.dma_semaphore, #tpu.memory_space<semaphore_mem>>) src(%dma_wait3A_73 : memref<3250x128xf32, #tpu.memory_space<vmem_shared>>) dst(%arg12 : memref<128x128xf32, #tpu.memory_space<vmem>>)
    %add3A_74 = arith.constant 12672 : i32
    %add3A_75 = arith.addi %add3A_6, %add3A_74 : i32
    %dma_start3A_76 = arith.constant 0 : i32
    %dma_start3A_77 = tpu.memref_slice %arg6[%add3A_75, %dma_start3A_76] : memref<819200x128xf32, #tpu.memory_space<hbm>> -> memref<128x128xf32, #tpu.memory_space<hbm>>
    %dma_start3A_78 = arith.constant 0 : i32
    %dma_start3A_79 = tpu.memref_slice %arg6[%add3A_75, %dma_start3A_78] : memref<819200x128xf32, #tpu.memory_space<hbm>> -> memref<128x128xf32, #tpu.memory_space<hbm>>
    tpu.enqueue_dma source(%arg12 : memref<128x128xf32, #tpu.memory_space<vmem>>) target(%dma_start3A_79 : memref<128x128xf32, #tpu.memory_space<hbm>>) target_semaphore(%arg22 : memref<!tpu.dma_semaphore, #tpu.memory_space<semaphore_mem>>)
    %add3A_80 = arith.constant 0 : i32
    %add3A_81 = arith.addi %mul3A_2, %add3A_80 : i32
    "tpu.region"() ({
      %run_scoped3A = tpu.sem_alloc : memref<!tpu.dma_semaphore, #tpu.memory_space<semaphore_mem>>
      %dma_start3A_386 = tpu.memref_slice %arg3[%add3A_81] : memref<819200xi32, #tpu.memory_space<hbm>> -> memref<12800xi32, #tpu.memory_space<hbm>>
      %dma_start3A_387 = tpu.memref_slice %arg3[%add3A_81] : memref<819200xi32, #tpu.memory_space<hbm>> -> memref<12800xi32, #tpu.memory_space<hbm>>
      tpu.enqueue_dma source(%dma_start3A_387 : memref<12800xi32, #tpu.memory_space<hbm>>) target(%arg8 : memref<12800xi32, #tpu.memory_space<vmem>>) target_semaphore(%run_scoped3A : memref<!tpu.dma_semaphore, #tpu.memory_space<semaphore_mem>>)
      %dma_wait3A_388 = tpu.memref_slice %arg3[%add3A_81] : memref<819200xi32, #tpu.memory_space<hbm>> -> memref<12800xi32, #tpu.memory_space<hbm>>
      %dma_wait3A_389 = tpu.memref_slice %arg3[%add3A_81] : memref<819200xi32, #tpu.memory_space<hbm>> -> memref<12800xi32, #tpu.memory_space<hbm>>
      tpu.wait_dma2 semaphore(%run_scoped3A : memref<!tpu.dma_semaphore, #tpu.memory_space<semaphore_mem>>) src(%dma_wait3A_389 : memref<12800xi32, #tpu.memory_space<hbm>>) dst(%arg8 : memref<12800xi32, #tpu.memory_space<vmem>>)
      tpu.yield
    }) : () -> ()
    %dma_start3A_82 = arith.constant 0 : i32
    %dma_start3A_83 = tpu.memref_slice %arg8[%dma_start3A_82] : memref<12800xi32, #tpu.memory_space<vmem>> -> memref<128xi32, #tpu.memory_space<vmem>>
    %dma_start3A_84 = arith.constant 0 : i32
    %dma_start3A_85 = arith.constant 0 : i32
    %dma_start3A_86 = tpu.memref_slice %arg14[%dma_start3A_84, %dma_start3A_85] : memref<2211x128xf32, #tpu.memory_space<vmem_shared>> -> memref<2211x128xf32, #tpu.memory_space<vmem_shared>>
    tpu.enqueue_indirect_dma source(%dma_start3A_86 : memref<2211x128xf32, #tpu.memory_space<vmem_shared>>) target(%arg9 : memref<128x128xf32, #tpu.memory_space<vmem>>) offsets(%dma_start3A_83 : memref<128xi32, #tpu.memory_space<vmem>>) semaphore(%arg15 : memref<!tpu.dma_semaphore, #tpu.memory_space<semaphore_mem>>)
    %dma_wait3A_87 = arith.constant 0 : i32
    %dma_wait3A_88 = arith.constant 0 : i32
    %dma_wait3A_89 = tpu.memref_slice %arg7[%dma_wait3A_87, %dma_wait3A_88] : memref<819200x128xf32, #tpu.memory_space<hbm>> -> memref<128x128xf32, #tpu.memory_space<hbm>>
    %dma_wait3A_90 = arith.constant 0 : i32
    %dma_wait3A_91 = arith.constant 0 : i32
    %dma_wait3A_92 = tpu.memref_slice %arg7[%dma_wait3A_90, %dma_wait3A_91] : memref<819200x128xf32, #tpu.memory_space<hbm>> -> memref<128x128xf32, #tpu.memory_space<hbm>>
    tpu.wait_dma2 semaphore(%arg20 : memref<!tpu.dma_semaphore, #tpu.memory_space<semaphore_mem>>) src(%arg10 : memref<128x128xf32, #tpu.memory_space<vmem>>) dst(%dma_wait3A_92 : memref<128x128xf32, #tpu.memory_space<hbm>>)
    %dma_start3A_93 = arith.constant 128 : i32
    %dma_start3A_94 = tpu.memref_slice %arg8[%dma_start3A_93] : memref<12800xi32, #tpu.memory_space<vmem>> -> memref<128xi32, #tpu.memory_space<vmem>>
    %dma_start3A_95 = arith.constant 0 : i32
    %dma_start3A_96 = arith.constant 0 : i32
    %dma_start3A_97 = tpu.memref_slice %arg14[%dma_start3A_95, %dma_start3A_96] : memref<2211x128xf32, #tpu.memory_space<vmem_shared>> -> memref<2211x128xf32, #tpu.memory_space<vmem_shared>>
    tpu.enqueue_indirect_dma source(%dma_start3A_97 : memref<2211x128xf32, #tpu.memory_space<vmem_shared>>) target(%arg10 : memref<128x128xf32, #tpu.memory_space<vmem>>) offsets(%dma_start3A_94 : memref<128xi32, #tpu.memory_space<vmem>>) semaphore(%arg16 : memref<!tpu.dma_semaphore, #tpu.memory_space<semaphore_mem>>)
    %dma_wait3A_98 = arith.constant 0 : i32
    %dma_wait3A_99 = tpu.memref_slice %arg8[%dma_wait3A_98] : memref<12800xi32, #tpu.memory_space<vmem>> -> memref<128xi32, #tpu.memory_space<vmem>>
    %dma_wait3A_100 = arith.constant 0 : i32
    %dma_wait3A_101 = arith.constant 0 : i32
    %dma_wait3A_102 = tpu.memref_slice %arg14[%dma_wait3A_100, %dma_wait3A_101] : memref<2211x128xf32, #tpu.memory_space<vmem_shared>> -> memref<2211x128xf32, #tpu.memory_space<vmem_shared>>
    tpu.wait_indirect_dma semaphore(%arg15 : memref<!tpu.dma_semaphore, #tpu.memory_space<semaphore_mem>>) src(%dma_wait3A_102 : memref<2211x128xf32, #tpu.memory_space<vmem_shared>>) dst(%arg9 : memref<128x128xf32, #tpu.memory_space<vmem>>)
    %add3A_103 = arith.constant 0 : i32
    %add3A_104 = arith.addi %add3A_81, %add3A_103 : i32
    %dma_start3A_105 = arith.constant 0 : i32
    %dma_start3A_106 = tpu.memref_slice %arg7[%add3A_104, %dma_start3A_105] : memref<819200x128xf32, #tpu.memory_space<hbm>> -> memref<128x128xf32, #tpu.memory_space<hbm>>
    %dma_start3A_107 = arith.constant 0 : i32
    %dma_start3A_108 = tpu.memref_slice %arg7[%add3A_104, %dma_start3A_107] : memref<819200x128xf32, #tpu.memory_space<hbm>> -> memref<128x128xf32, #tpu.memory_space<hbm>>
    tpu.enqueue_dma source(%arg9 : memref<128x128xf32, #tpu.memory_space<vmem>>) target(%dma_start3A_108 : memref<128x128xf32, #tpu.memory_space<hbm>>) target_semaphore(%arg19 : memref<!tpu.dma_semaphore, #tpu.memory_space<semaphore_mem>>)
    %dma_wait3A_109 = arith.constant 0 : i32
    %dma_wait3A_110 = arith.constant 0 : i32
    %dma_wait3A_111 = tpu.memref_slice %arg7[%dma_wait3A_109, %dma_wait3A_110] : memref<819200x128xf32, #tpu.memory_space<hbm>> -> memref<128x128xf32, #tpu.memory_space<hbm>>
    %dma_wait3A_112 = arith.constant 0 : i32
    %dma_wait3A_113 = arith.constant 0 : i32
    %dma_wait3A_114 = tpu.memref_slice %arg7[%dma_wait3A_112, %dma_wait3A_113] : memref<819200x128xf32, #tpu.memory_space<hbm>> -> memref<128x128xf32, #tpu.memory_space<hbm>>
    tpu.wait_dma2 semaphore(%arg21 : memref<!tpu.dma_semaphore, #tpu.memory_space<semaphore_mem>>) src(%arg11 : memref<128x128xf32, #tpu.memory_space<vmem>>) dst(%dma_wait3A_114 : memref<128x128xf32, #tpu.memory_space<hbm>>)
    %dma_start3A_115 = arith.constant 256 : i32
    %dma_start3A_116 = tpu.memref_slice %arg8[%dma_start3A_115] : memref<12800xi32, #tpu.memory_space<vmem>> -> memref<128xi32, #tpu.memory_space<vmem>>
    %dma_start3A_117 = arith.constant 0 : i32
    %dma_start3A_118 = arith.constant 0 : i32
    %dma_start3A_119 = tpu.memref_slice %arg14[%dma_start3A_117, %dma_start3A_118] : memref<2211x128xf32, #tpu.memory_space<vmem_shared>> -> memref<2211x128xf32, #tpu.memory_space<vmem_shared>>
    tpu.enqueue_indirect_dma source(%dma_start3A_119 : memref<2211x128xf32, #tpu.memory_space<vmem_shared>>) target(%arg11 : memref<128x128xf32, #tpu.memory_space<vmem>>) offsets(%dma_start3A_116 : memref<128xi32, #tpu.memory_space<vmem>>) semaphore(%arg17 : memref<!tpu.dma_semaphore, #tpu.memory_space<semaphore_mem>>)
    %dma_wait3A_120 = arith.constant 128 : i32
    %dma_wait3A_121 = tpu.memref_slice %arg8[%dma_wait3A_120] : memref<12800xi32, #tpu.memory_space<vmem>> -> memref<128xi32, #tpu.memory_space<vmem>>
    %dma_wait3A_122 = arith.constant 0 : i32
    %dma_wait3A_123 = arith.constant 0 : i32
    %dma_wait3A_124 = tpu.memref_slice %arg14[%dma_wait3A_122, %dma_wait3A_123] : memref<2211x128xf32, #tpu.memory_space<vmem_shared>> -> memref<2211x128xf32, #tpu.memory_space<vmem_shared>>
    tpu.wait_indirect_dma semaphore(%arg16 : memref<!tpu.dma_semaphore, #tpu.memory_space<semaphore_mem>>) src(%dma_wait3A_124 : memref<2211x128xf32, #tpu.memory_space<vmem_shared>>) dst(%arg10 : memref<128x128xf32, #tpu.memory_space<vmem>>)
    %add3A_125 = arith.constant 128 : i32
    %add3A_126 = arith.addi %add3A_81, %add3A_125 : i32
    %dma_start3A_127 = arith.constant 0 : i32
    %dma_start3A_128 = tpu.memref_slice %arg7[%add3A_126, %dma_start3A_127] : memref<819200x128xf32, #tpu.memory_space<hbm>> -> memref<128x128xf32, #tpu.memory_space<hbm>>
    %dma_start3A_129 = arith.constant 0 : i32
    %dma_start3A_130 = tpu.memref_slice %arg7[%add3A_126, %dma_start3A_129] : memref<819200x128xf32, #tpu.memory_space<hbm>> -> memref<128x128xf32, #tpu.memory_space<hbm>>
    tpu.enqueue_dma source(%arg10 : memref<128x128xf32, #tpu.memory_space<vmem>>) target(%dma_start3A_130 : memref<128x128xf32, #tpu.memory_space<hbm>>) target_semaphore(%arg20 : memref<!tpu.dma_semaphore, #tpu.memory_space<semaphore_mem>>)
    %dma_wait3A_131 = arith.constant 0 : i32
    %dma_wait3A_132 = arith.constant 0 : i32
    %dma_wait3A_133 = tpu.memref_slice %arg7[%dma_wait3A_131, %dma_wait3A_132] : memref<819200x128xf32, #tpu.memory_space<hbm>> -> memref<128x128xf32, #tpu.memory_space<hbm>>
    %dma_wait3A_134 = arith.constant 0 : i32
    %dma_wait3A_135 = arith.constant 0 : i32
    %dma_wait3A_136 = tpu.memref_slice %arg7[%dma_wait3A_134, %dma_wait3A_135] : memref<819200x128xf32, #tpu.memory_space<hbm>> -> memref<128x128xf32, #tpu.memory_space<hbm>>
    tpu.wait_dma2 semaphore(%arg22 : memref<!tpu.dma_semaphore, #tpu.memory_space<semaphore_mem>>) src(%arg12 : memref<128x128xf32, #tpu.memory_space<vmem>>) dst(%dma_wait3A_136 : memref<128x128xf32, #tpu.memory_space<hbm>>)
    %dma_start3A_137 = arith.constant 384 : i32
    %dma_start3A_138 = tpu.memref_slice %arg8[%dma_start3A_137] : memref<12800xi32, #tpu.memory_space<vmem>> -> memref<128xi32, #tpu.memory_space<vmem>>
    %dma_start3A_139 = arith.constant 0 : i32
    %dma_start3A_140 = arith.constant 0 : i32
    %dma_start3A_141 = tpu.memref_slice %arg14[%dma_start3A_139, %dma_start3A_140] : memref<2211x128xf32, #tpu.memory_space<vmem_shared>> -> memref<2211x128xf32, #tpu.memory_space<vmem_shared>>
    tpu.enqueue_indirect_dma source(%dma_start3A_141 : memref<2211x128xf32, #tpu.memory_space<vmem_shared>>) target(%arg12 : memref<128x128xf32, #tpu.memory_space<vmem>>) offsets(%dma_start3A_138 : memref<128xi32, #tpu.memory_space<vmem>>) semaphore(%arg18 : memref<!tpu.dma_semaphore, #tpu.memory_space<semaphore_mem>>)
    %dma_wait3A_142 = arith.constant 256 : i32
    %dma_wait3A_143 = tpu.memref_slice %arg8[%dma_wait3A_142] : memref<12800xi32, #tpu.memory_space<vmem>> -> memref<128xi32, #tpu.memory_space<vmem>>
    %dma_wait3A_144 = arith.constant 0 : i32
    %dma_wait3A_145 = arith.constant 0 : i32
    %dma_wait3A_146 = tpu.memref_slice %arg14[%dma_wait3A_144, %dma_wait3A_145] : memref<2211x128xf32, #tpu.memory_space<vmem_shared>> -> memref<2211x128xf32, #tpu.memory_space<vmem_shared>>
    tpu.wait_indirect_dma semaphore(%arg17 : memref<!tpu.dma_semaphore, #tpu.memory_space<semaphore_mem>>) src(%dma_wait3A_146 : memref<2211x128xf32, #tpu.memory_space<vmem_shared>>) dst(%arg11 : memref<128x128xf32, #tpu.memory_space<vmem>>)
    %add3A_147 = arith.constant 256 : i32
    %add3A_148 = arith.addi %add3A_81, %add3A_147 : i32
    %dma_start3A_149 = arith.constant 0 : i32
    %dma_start3A_150 = tpu.memref_slice %arg7[%add3A_148, %dma_start3A_149] : memref<819200x128xf32, #tpu.memory_space<hbm>> -> memref<128x128xf32, #tpu.memory_space<hbm>>
    %dma_start3A_151 = arith.constant 0 : i32
    %dma_start3A_152 = tpu.memref_slice %arg7[%add3A_148, %dma_start3A_151] : memref<819200x128xf32, #tpu.memory_space<hbm>> -> memref<128x128xf32, #tpu.memory_space<hbm>>
    tpu.enqueue_dma source(%arg11 : memref<128x128xf32, #tpu.memory_space<vmem>>) target(%dma_start3A_152 : memref<128x128xf32, #tpu.memory_space<hbm>>) target_semaphore(%arg21 : memref<!tpu.dma_semaphore, #tpu.memory_space<semaphore_mem>>)
    %scan3A_153 = arith.constant 0 : i32
    %scan3A_154 = arith.constant 0 : i32
    %scan3A_155 = arith.constant 24 : i32
    %scan3A_156 = arith.addi %scan3A_154, %scan3A_155 : i32
    %scan3A_157 = arith.constant 1 : i32
    scf.for %scan3A_386 = %scan3A_154 to %scan3A_156 step %scan3A_157  : i32 {
      %mul3A_387 = arith.constant 4 : i32
      %mul3A_388 = arith.muli %mul3A_387, %scan3A_386 : i32
      %add3A_389 = arith.constant 3 : i32
      %add3A_390 = arith.addi %mul3A_388, %add3A_389 : i32
      %add3A_391 = arith.constant 0 : i32
      %add3A_392 = arith.addi %add3A_390, %add3A_391 : i32
      %dma_wait3A_393 = arith.constant 0 : i32
      %dma_wait3A_394 = arith.constant 0 : i32
      %dma_wait3A_395 = tpu.memref_slice %arg7[%dma_wait3A_393, %dma_wait3A_394] : memref<819200x128xf32, #tpu.memory_space<hbm>> -> memref<128x128xf32, #tpu.memory_space<hbm>>
      %dma_wait3A_396 = arith.constant 0 : i32
      %dma_wait3A_397 = arith.constant 0 : i32
      %dma_wait3A_398 = tpu.memref_slice %arg7[%dma_wait3A_396, %dma_wait3A_397] : memref<819200x128xf32, #tpu.memory_space<hbm>> -> memref<128x128xf32, #tpu.memory_space<hbm>>
      tpu.wait_dma2 semaphore(%arg19 : memref<!tpu.dma_semaphore, #tpu.memory_space<semaphore_mem>>) src(%arg9 : memref<128x128xf32, #tpu.memory_space<vmem>>) dst(%dma_wait3A_398 : memref<128x128xf32, #tpu.memory_space<hbm>>)
      %add3A_399 = arith.constant 1 : i32
      %add3A_400 = arith.addi %add3A_392, %add3A_399 : i32
      %mul3A_401 = arith.constant 128 : i32
      %mul3A_402 = arith.muli %add3A_400, %mul3A_401 : i32
      %dma_start3A_403 = tpu.memref_slice %arg8[%mul3A_402] : memref<12800xi32, #tpu.memory_space<vmem>> -> memref<128xi32, #tpu.memory_space<vmem>>
      %dma_start3A_404 = arith.constant 0 : i32
      %dma_start3A_405 = arith.constant 0 : i32
      %dma_start3A_406 = tpu.memref_slice %arg14[%dma_start3A_404, %dma_start3A_405] : memref<2211x128xf32, #tpu.memory_space<vmem_shared>> -> memref<2211x128xf32, #tpu.memory_space<vmem_shared>>
      tpu.enqueue_indirect_dma source(%dma_start3A_406 : memref<2211x128xf32, #tpu.memory_space<vmem_shared>>) target(%arg9 : memref<128x128xf32, #tpu.memory_space<vmem>>) offsets(%dma_start3A_403 : memref<128xi32, #tpu.memory_space<vmem>>) semaphore(%arg15 : memref<!tpu.dma_semaphore, #tpu.memory_space<semaphore_mem>>)
      %mul3A_407 = arith.constant 128 : i32
      %mul3A_408 = arith.muli %add3A_392, %mul3A_407 : i32
      %dma_wait3A_409 = tpu.memref_slice %arg8[%mul3A_408] : memref<12800xi32, #tpu.memory_space<vmem>> -> memref<128xi32, #tpu.memory_space<vmem>>
      %dma_wait3A_410 = arith.constant 0 : i32
      %dma_wait3A_411 = arith.constant 0 : i32
      %dma_wait3A_412 = tpu.memref_slice %arg14[%dma_wait3A_410, %dma_wait3A_411] : memref<2211x128xf32, #tpu.memory_space<vmem_shared>> -> memref<2211x128xf32, #tpu.memory_space<vmem_shared>>
      tpu.wait_indirect_dma semaphore(%arg18 : memref<!tpu.dma_semaphore, #tpu.memory_space<semaphore_mem>>) src(%dma_wait3A_412 : memref<2211x128xf32, #tpu.memory_space<vmem_shared>>) dst(%arg12 : memref<128x128xf32, #tpu.memory_space<vmem>>)
      %mul3A_413 = arith.constant 128 : i32
      %mul3A_414 = arith.muli %add3A_392, %mul3A_413 : i32
      %add3A_415 = arith.addi %add3A_81, %mul3A_414 : i32
      %dma_start3A_416 = arith.constant 0 : i32
      %dma_start3A_417 = tpu.memref_slice %arg7[%add3A_415, %dma_start3A_416] : memref<819200x128xf32, #tpu.memory_space<hbm>> -> memref<128x128xf32, #tpu.memory_space<hbm>>
      %dma_start3A_418 = arith.constant 0 : i32
      %dma_start3A_419 = tpu.memref_slice %arg7[%add3A_415, %dma_start3A_418] : memref<819200x128xf32, #tpu.memory_space<hbm>> -> memref<128x128xf32, #tpu.memory_space<hbm>>
      tpu.enqueue_dma source(%arg12 : memref<128x128xf32, #tpu.memory_space<vmem>>) target(%dma_start3A_419 : memref<128x128xf32, #tpu.memory_space<hbm>>) target_semaphore(%arg22 : memref<!tpu.dma_semaphore, #tpu.memory_space<semaphore_mem>>)
      %add3A_420 = arith.constant 1 : i32
      %add3A_421 = arith.addi %add3A_390, %add3A_420 : i32
      %dma_wait3A_422 = arith.constant 0 : i32
      %dma_wait3A_423 = arith.constant 0 : i32
      %dma_wait3A_424 = tpu.memref_slice %arg7[%dma_wait3A_422, %dma_wait3A_423] : memref<819200x128xf32, #tpu.memory_space<hbm>> -> memref<128x128xf32, #tpu.memory_space<hbm>>
      %dma_wait3A_425 = arith.constant 0 : i32
      %dma_wait3A_426 = arith.constant 0 : i32
      %dma_wait3A_427 = tpu.memref_slice %arg7[%dma_wait3A_425, %dma_wait3A_426] : memref<819200x128xf32, #tpu.memory_space<hbm>> -> memref<128x128xf32, #tpu.memory_space<hbm>>
      tpu.wait_dma2 semaphore(%arg20 : memref<!tpu.dma_semaphore, #tpu.memory_space<semaphore_mem>>) src(%arg10 : memref<128x128xf32, #tpu.memory_space<vmem>>) dst(%dma_wait3A_427 : memref<128x128xf32, #tpu.memory_space<hbm>>)
      %add3A_428 = arith.constant 1 : i32
      %add3A_429 = arith.addi %add3A_421, %add3A_428 : i32
      %mul3A_430 = arith.constant 128 : i32
      %mul3A_431 = arith.muli %add3A_429, %mul3A_430 : i32
      %dma_start3A_432 = tpu.memref_slice %arg8[%mul3A_431] : memref<12800xi32, #tpu.memory_space<vmem>> -> memref<128xi32, #tpu.memory_space<vmem>>
      %dma_start3A_433 = arith.constant 0 : i32
      %dma_start3A_434 = arith.constant 0 : i32
      %dma_start3A_435 = tpu.memref_slice %arg14[%dma_start3A_433, %dma_start3A_434] : memref<2211x128xf32, #tpu.memory_space<vmem_shared>> -> memref<2211x128xf32, #tpu.memory_space<vmem_shared>>
      tpu.enqueue_indirect_dma source(%dma_start3A_435 : memref<2211x128xf32, #tpu.memory_space<vmem_shared>>) target(%arg10 : memref<128x128xf32, #tpu.memory_space<vmem>>) offsets(%dma_start3A_432 : memref<128xi32, #tpu.memory_space<vmem>>) semaphore(%arg16 : memref<!tpu.dma_semaphore, #tpu.memory_space<semaphore_mem>>)
      %mul3A_436 = arith.constant 128 : i32
      %mul3A_437 = arith.muli %add3A_421, %mul3A_436 : i32
      %dma_wait3A_438 = tpu.memref_slice %arg8[%mul3A_437] : memref<12800xi32, #tpu.memory_space<vmem>> -> memref<128xi32, #tpu.memory_space<vmem>>
      %dma_wait3A_439 = arith.constant 0 : i32
      %dma_wait3A_440 = arith.constant 0 : i32
      %dma_wait3A_441 = tpu.memref_slice %arg14[%dma_wait3A_439, %dma_wait3A_440] : memref<2211x128xf32, #tpu.memory_space<vmem_shared>> -> memref<2211x128xf32, #tpu.memory_space<vmem_shared>>
      tpu.wait_indirect_dma semaphore(%arg15 : memref<!tpu.dma_semaphore, #tpu.memory_space<semaphore_mem>>) src(%dma_wait3A_441 : memref<2211x128xf32, #tpu.memory_space<vmem_shared>>) dst(%arg9 : memref<128x128xf32, #tpu.memory_space<vmem>>)
      %mul3A_442 = arith.constant 128 : i32
      %mul3A_443 = arith.muli %add3A_421, %mul3A_442 : i32
      %add3A_444 = arith.addi %add3A_81, %mul3A_443 : i32
      %dma_start3A_445 = arith.constant 0 : i32
      %dma_start3A_446 = tpu.memref_slice %arg7[%add3A_444, %dma_start3A_445] : memref<819200x128xf32, #tpu.memory_space<hbm>> -> memref<128x128xf32, #tpu.memory_space<hbm>>
      %dma_start3A_447 = arith.constant 0 : i32
      %dma_start3A_448 = tpu.memref_slice %arg7[%add3A_444, %dma_start3A_447] : memref<819200x128xf32, #tpu.memory_space<hbm>> -> memref<128x128xf32, #tpu.memory_space<hbm>>
      tpu.enqueue_dma source(%arg9 : memref<128x128xf32, #tpu.memory_space<vmem>>) target(%dma_start3A_448 : memref<128x128xf32, #tpu.memory_space<hbm>>) target_semaphore(%arg19 : memref<!tpu.dma_semaphore, #tpu.memory_space<semaphore_mem>>)
      %add3A_449 = arith.constant 2 : i32
      %add3A_450 = arith.addi %add3A_390, %add3A_449 : i32
      %dma_wait3A_451 = arith.constant 0 : i32
      %dma_wait3A_452 = arith.constant 0 : i32
      %dma_wait3A_453 = tpu.memref_slice %arg7[%dma_wait3A_451, %dma_wait3A_452] : memref<819200x128xf32, #tpu.memory_space<hbm>> -> memref<128x128xf32, #tpu.memory_space<hbm>>
      %dma_wait3A_454 = arith.constant 0 : i32
      %dma_wait3A_455 = arith.constant 0 : i32
      %dma_wait3A_456 = tpu.memref_slice %arg7[%dma_wait3A_454, %dma_wait3A_455] : memref<819200x128xf32, #tpu.memory_space<hbm>> -> memref<128x128xf32, #tpu.memory_space<hbm>>
      tpu.wait_dma2 semaphore(%arg21 : memref<!tpu.dma_semaphore, #tpu.memory_space<semaphore_mem>>) src(%arg11 : memref<128x128xf32, #tpu.memory_space<vmem>>) dst(%dma_wait3A_456 : memref<128x128xf32, #tpu.memory_space<hbm>>)
      %add3A_457 = arith.constant 1 : i32
      %add3A_458 = arith.addi %add3A_450, %add3A_457 : i32
      %mul3A_459 = arith.constant 128 : i32
      %mul3A_460 = arith.muli %add3A_458, %mul3A_459 : i32
      %dma_start3A_461 = tpu.memref_slice %arg8[%mul3A_460] : memref<12800xi32, #tpu.memory_space<vmem>> -> memref<128xi32, #tpu.memory_space<vmem>>
      %dma_start3A_462 = arith.constant 0 : i32
      %dma_start3A_463 = arith.constant 0 : i32
      %dma_start3A_464 = tpu.memref_slice %arg14[%dma_start3A_462, %dma_start3A_463] : memref<2211x128xf32, #tpu.memory_space<vmem_shared>> -> memref<2211x128xf32, #tpu.memory_space<vmem_shared>>
      tpu.enqueue_indirect_dma source(%dma_start3A_464 : memref<2211x128xf32, #tpu.memory_space<vmem_shared>>) target(%arg11 : memref<128x128xf32, #tpu.memory_space<vmem>>) offsets(%dma_start3A_461 : memref<128xi32, #tpu.memory_space<vmem>>) semaphore(%arg17 : memref<!tpu.dma_semaphore, #tpu.memory_space<semaphore_mem>>)
      %mul3A_465 = arith.constant 128 : i32
      %mul3A_466 = arith.muli %add3A_450, %mul3A_465 : i32
      %dma_wait3A_467 = tpu.memref_slice %arg8[%mul3A_466] : memref<12800xi32, #tpu.memory_space<vmem>> -> memref<128xi32, #tpu.memory_space<vmem>>
      %dma_wait3A_468 = arith.constant 0 : i32
      %dma_wait3A_469 = arith.constant 0 : i32
      %dma_wait3A_470 = tpu.memref_slice %arg14[%dma_wait3A_468, %dma_wait3A_469] : memref<2211x128xf32, #tpu.memory_space<vmem_shared>> -> memref<2211x128xf32, #tpu.memory_space<vmem_shared>>
      tpu.wait_indirect_dma semaphore(%arg16 : memref<!tpu.dma_semaphore, #tpu.memory_space<semaphore_mem>>) src(%dma_wait3A_470 : memref<2211x128xf32, #tpu.memory_space<vmem_shared>>) dst(%arg10 : memref<128x128xf32, #tpu.memory_space<vmem>>)
      %mul3A_471 = arith.constant 128 : i32
      %mul3A_472 = arith.muli %add3A_450, %mul3A_471 : i32
      %add3A_473 = arith.addi %add3A_81, %mul3A_472 : i32
      %dma_start3A_474 = arith.constant 0 : i32
      %dma_start3A_475 = tpu.memref_slice %arg7[%add3A_473, %dma_start3A_474] : memref<819200x128xf32, #tpu.memory_space<hbm>> -> memref<128x128xf32, #tpu.memory_space<hbm>>
      %dma_start3A_476 = arith.constant 0 : i32
      %dma_start3A_477 = tpu.memref_slice %arg7[%add3A_473, %dma_start3A_476] : memref<819200x128xf32, #tpu.memory_space<hbm>> -> memref<128x128xf32, #tpu.memory_space<hbm>>
      tpu.enqueue_dma source(%arg10 : memref<128x128xf32, #tpu.memory_space<vmem>>) target(%dma_start3A_477 : memref<128x128xf32, #tpu.memory_space<hbm>>) target_semaphore(%arg20 : memref<!tpu.dma_semaphore, #tpu.memory_space<semaphore_mem>>)
      %add3A_478 = arith.constant 3 : i32
      %add3A_479 = arith.addi %add3A_390, %add3A_478 : i32
      %dma_wait3A_480 = arith.constant 0 : i32
      %dma_wait3A_481 = arith.constant 0 : i32
      %dma_wait3A_482 = tpu.memref_slice %arg7[%dma_wait3A_480, %dma_wait3A_481] : memref<819200x128xf32, #tpu.memory_space<hbm>> -> memref<128x128xf32, #tpu.memory_space<hbm>>
      %dma_wait3A_483 = arith.constant 0 : i32
      %dma_wait3A_484 = arith.constant 0 : i32
      %dma_wait3A_485 = tpu.memref_slice %arg7[%dma_wait3A_483, %dma_wait3A_484] : memref<819200x128xf32, #tpu.memory_space<hbm>> -> memref<128x128xf32, #tpu.memory_space<hbm>>
      tpu.wait_dma2 semaphore(%arg22 : memref<!tpu.dma_semaphore, #tpu.memory_space<semaphore_mem>>) src(%arg12 : memref<128x128xf32, #tpu.memory_space<vmem>>) dst(%dma_wait3A_485 : memref<128x128xf32, #tpu.memory_space<hbm>>)
      %add3A_486 = arith.constant 1 : i32
      %add3A_487 = arith.addi %add3A_479, %add3A_486 : i32
      %mul3A_488 = arith.constant 128 : i32
      %mul3A_489 = arith.muli %add3A_487, %mul3A_488 : i32
      %dma_start3A_490 = tpu.memref_slice %arg8[%mul3A_489] : memref<12800xi32, #tpu.memory_space<vmem>> -> memref<128xi32, #tpu.memory_space<vmem>>
      %dma_start3A_491 = arith.constant 0 : i32
      %dma_start3A_492 = arith.constant 0 : i32
      %dma_start3A_493 = tpu.memref_slice %arg14[%dma_start3A_491, %dma_start3A_492] : memref<2211x128xf32, #tpu.memory_space<vmem_shared>> -> memref<2211x128xf32, #tpu.memory_space<vmem_shared>>
      tpu.enqueue_indirect_dma source(%dma_start3A_493 : memref<2211x128xf32, #tpu.memory_space<vmem_shared>>) target(%arg12 : memref<128x128xf32, #tpu.memory_space<vmem>>) offsets(%dma_start3A_490 : memref<128xi32, #tpu.memory_space<vmem>>) semaphore(%arg18 : memref<!tpu.dma_semaphore, #tpu.memory_space<semaphore_mem>>)
      %mul3A_494 = arith.constant 128 : i32
      %mul3A_495 = arith.muli %add3A_479, %mul3A_494 : i32
      %dma_wait3A_496 = tpu.memref_slice %arg8[%mul3A_495] : memref<12800xi32, #tpu.memory_space<vmem>> -> memref<128xi32, #tpu.memory_space<vmem>>
      %dma_wait3A_497 = arith.constant 0 : i32
      %dma_wait3A_498 = arith.constant 0 : i32
      %dma_wait3A_499 = tpu.memref_slice %arg14[%dma_wait3A_497, %dma_wait3A_498] : memref<2211x128xf32, #tpu.memory_space<vmem_shared>> -> memref<2211x128xf32, #tpu.memory_space<vmem_shared>>
      tpu.wait_indirect_dma semaphore(%arg17 : memref<!tpu.dma_semaphore, #tpu.memory_space<semaphore_mem>>) src(%dma_wait3A_499 : memref<2211x128xf32, #tpu.memory_space<vmem_shared>>) dst(%arg11 : memref<128x128xf32, #tpu.memory_space<vmem>>)
      %mul3A_500 = arith.constant 128 : i32
      %mul3A_501 = arith.muli %add3A_479, %mul3A_500 : i32
      %add3A_502 = arith.addi %add3A_81, %mul3A_501 : i32
      %dma_start3A_503 = arith.constant 0 : i32
      %dma_start3A_504 = tpu.memref_slice %arg7[%add3A_502, %dma_start3A_503] : memref<819200x128xf32, #tpu.memory_space<hbm>> -> memref<128x128xf32, #tpu.memory_space<hbm>>
      %dma_start3A_505 = arith.constant 0 : i32
      %dma_start3A_506 = tpu.memref_slice %arg7[%add3A_502, %dma_start3A_505] : memref<819200x128xf32, #tpu.memory_space<hbm>> -> memref<128x128xf32, #tpu.memory_space<hbm>>
      tpu.enqueue_dma source(%arg11 : memref<128x128xf32, #tpu.memory_space<vmem>>) target(%dma_start3A_506 : memref<128x128xf32, #tpu.memory_space<hbm>>) target_semaphore(%arg21 : memref<!tpu.dma_semaphore, #tpu.memory_space<semaphore_mem>>)
    }
    %scan3A_158 = arith.constant 24 : i32
    %dma_wait3A_159 = arith.constant 0 : i32
    %dma_wait3A_160 = arith.constant 0 : i32
    %dma_wait3A_161 = tpu.memref_slice %arg7[%dma_wait3A_159, %dma_wait3A_160] : memref<819200x128xf32, #tpu.memory_space<hbm>> -> memref<128x128xf32, #tpu.memory_space<hbm>>
    %dma_wait3A_162 = arith.constant 0 : i32
    %dma_wait3A_163 = arith.constant 0 : i32
    %dma_wait3A_164 = tpu.memref_slice %arg7[%dma_wait3A_162, %dma_wait3A_163] : memref<819200x128xf32, #tpu.memory_space<hbm>> -> memref<128x128xf32, #tpu.memory_space<hbm>>
    tpu.wait_dma2 semaphore(%arg19 : memref<!tpu.dma_semaphore, #tpu.memory_space<semaphore_mem>>) src(%arg9 : memref<128x128xf32, #tpu.memory_space<vmem>>) dst(%dma_wait3A_164 : memref<128x128xf32, #tpu.memory_space<hbm>>)
    %dma_wait3A_165 = arith.constant 12672 : i32
    %dma_wait3A_166 = tpu.memref_slice %arg8[%dma_wait3A_165] : memref<12800xi32, #tpu.memory_space<vmem>> -> memref<128xi32, #tpu.memory_space<vmem>>
    %dma_wait3A_167 = arith.constant 0 : i32
    %dma_wait3A_168 = arith.constant 0 : i32
    %dma_wait3A_169 = tpu.memref_slice %arg14[%dma_wait3A_167, %dma_wait3A_168] : memref<2211x128xf32, #tpu.memory_space<vmem_shared>> -> memref<2211x128xf32, #tpu.memory_space<vmem_shared>>
    tpu.wait_indirect_dma semaphore(%arg18 : memref<!tpu.dma_semaphore, #tpu.memory_space<semaphore_mem>>) src(%dma_wait3A_169 : memref<2211x128xf32, #tpu.memory_space<vmem_shared>>) dst(%arg12 : memref<128x128xf32, #tpu.memory_space<vmem>>)
    %add3A_170 = arith.constant 12672 : i32
    %add3A_171 = arith.addi %add3A_81, %add3A_170 : i32
    %dma_start3A_172 = arith.constant 0 : i32
    %dma_start3A_173 = tpu.memref_slice %arg7[%add3A_171, %dma_start3A_172] : memref<819200x128xf32, #tpu.memory_space<hbm>> -> memref<128x128xf32, #tpu.memory_space<hbm>>
    %dma_start3A_174 = arith.constant 0 : i32
    %dma_start3A_175 = tpu.memref_slice %arg7[%add3A_171, %dma_start3A_174] : memref<819200x128xf32, #tpu.memory_space<hbm>> -> memref<128x128xf32, #tpu.memory_space<hbm>>
    tpu.enqueue_dma source(%arg12 : memref<128x128xf32, #tpu.memory_space<vmem>>) target(%dma_start3A_175 : memref<128x128xf32, #tpu.memory_space<hbm>>) target_semaphore(%arg22 : memref<!tpu.dma_semaphore, #tpu.memory_space<semaphore_mem>>)
    %add3A_176 = arith.constant 12800 : i32
    %add3A_177 = arith.addi %mul3A_2, %add3A_176 : i32
    "tpu.region"() ({
      %run_scoped3A = tpu.sem_alloc : memref<!tpu.dma_semaphore, #tpu.memory_space<semaphore_mem>>
      %dma_start3A_386 = tpu.memref_slice %arg2[%add3A_177] : memref<819200xi32, #tpu.memory_space<hbm>> -> memref<12800xi32, #tpu.memory_space<hbm>>
      %dma_start3A_387 = tpu.memref_slice %arg2[%add3A_177] : memref<819200xi32, #tpu.memory_space<hbm>> -> memref<12800xi32, #tpu.memory_space<hbm>>
      tpu.enqueue_dma source(%dma_start3A_387 : memref<12800xi32, #tpu.memory_space<hbm>>) target(%arg8 : memref<12800xi32, #tpu.memory_space<vmem>>) target_semaphore(%run_scoped3A : memref<!tpu.dma_semaphore, #tpu.memory_space<semaphore_mem>>)
      %dma_wait3A_388 = tpu.memref_slice %arg2[%add3A_177] : memref<819200xi32, #tpu.memory_space<hbm>> -> memref<12800xi32, #tpu.memory_space<hbm>>
      %dma_wait3A_389 = tpu.memref_slice %arg2[%add3A_177] : memref<819200xi32, #tpu.memory_space<hbm>> -> memref<12800xi32, #tpu.memory_space<hbm>>
      tpu.wait_dma2 semaphore(%run_scoped3A : memref<!tpu.dma_semaphore, #tpu.memory_space<semaphore_mem>>) src(%dma_wait3A_389 : memref<12800xi32, #tpu.memory_space<hbm>>) dst(%arg8 : memref<12800xi32, #tpu.memory_space<vmem>>)
      tpu.yield
    }) : () -> ()
    %dma_start3A_178 = arith.constant 0 : i32
    %dma_start3A_179 = tpu.memref_slice %arg8[%dma_start3A_178] : memref<12800xi32, #tpu.memory_space<vmem>> -> memref<128xi32, #tpu.memory_space<vmem>>
    %dma_start3A_180 = arith.constant 0 : i32
    %dma_start3A_181 = arith.constant 0 : i32
    %dma_start3A_182 = tpu.memref_slice %arg13[%dma_start3A_180, %dma_start3A_181] : memref<3250x128xf32, #tpu.memory_space<vmem_shared>> -> memref<3250x128xf32, #tpu.memory_space<vmem_shared>>
    tpu.enqueue_indirect_dma source(%dma_start3A_182 : memref<3250x128xf32, #tpu.memory_space<vmem_shared>>) target(%arg9 : memref<128x128xf32, #tpu.memory_space<vmem>>) offsets(%dma_start3A_179 : memref<128xi32, #tpu.memory_space<vmem>>) semaphore(%arg15 : memref<!tpu.dma_semaphore, #tpu.memory_space<semaphore_mem>>)
    %dma_wait3A_183 = arith.constant 0 : i32
    %dma_wait3A_184 = arith.constant 0 : i32
    %dma_wait3A_185 = tpu.memref_slice %arg6[%dma_wait3A_183, %dma_wait3A_184] : memref<819200x128xf32, #tpu.memory_space<hbm>> -> memref<128x128xf32, #tpu.memory_space<hbm>>
    %dma_wait3A_186 = arith.constant 0 : i32
    %dma_wait3A_187 = arith.constant 0 : i32
    %dma_wait3A_188 = tpu.memref_slice %arg6[%dma_wait3A_186, %dma_wait3A_187] : memref<819200x128xf32, #tpu.memory_space<hbm>> -> memref<128x128xf32, #tpu.memory_space<hbm>>
    tpu.wait_dma2 semaphore(%arg20 : memref<!tpu.dma_semaphore, #tpu.memory_space<semaphore_mem>>) src(%arg10 : memref<128x128xf32, #tpu.memory_space<vmem>>) dst(%dma_wait3A_188 : memref<128x128xf32, #tpu.memory_space<hbm>>)
    %dma_start3A_189 = arith.constant 128 : i32
    %dma_start3A_190 = tpu.memref_slice %arg8[%dma_start3A_189] : memref<12800xi32, #tpu.memory_space<vmem>> -> memref<128xi32, #tpu.memory_space<vmem>>
    %dma_start3A_191 = arith.constant 0 : i32
    %dma_start3A_192 = arith.constant 0 : i32
    %dma_start3A_193 = tpu.memref_slice %arg13[%dma_start3A_191, %dma_start3A_192] : memref<3250x128xf32, #tpu.memory_space<vmem_shared>> -> memref<3250x128xf32, #tpu.memory_space<vmem_shared>>
    tpu.enqueue_indirect_dma source(%dma_start3A_193 : memref<3250x128xf32, #tpu.memory_space<vmem_shared>>) target(%arg10 : memref<128x128xf32, #tpu.memory_space<vmem>>) offsets(%dma_start3A_190 : memref<128xi32, #tpu.memory_space<vmem>>) semaphore(%arg16 : memref<!tpu.dma_semaphore, #tpu.memory_space<semaphore_mem>>)
    %dma_wait3A_194 = arith.constant 0 : i32
    %dma_wait3A_195 = tpu.memref_slice %arg8[%dma_wait3A_194] : memref<12800xi32, #tpu.memory_space<vmem>> -> memref<128xi32, #tpu.memory_space<vmem>>
    %dma_wait3A_196 = arith.constant 0 : i32
    %dma_wait3A_197 = arith.constant 0 : i32
    %dma_wait3A_198 = tpu.memref_slice %arg13[%dma_wait3A_196, %dma_wait3A_197] : memref<3250x128xf32, #tpu.memory_space<vmem_shared>> -> memref<3250x128xf32, #tpu.memory_space<vmem_shared>>
    tpu.wait_indirect_dma semaphore(%arg15 : memref<!tpu.dma_semaphore, #tpu.memory_space<semaphore_mem>>) src(%dma_wait3A_198 : memref<3250x128xf32, #tpu.memory_space<vmem_shared>>) dst(%arg9 : memref<128x128xf32, #tpu.memory_space<vmem>>)
    %add3A_199 = arith.constant 0 : i32
    %add3A_200 = arith.addi %add3A_177, %add3A_199 : i32
    %dma_start3A_201 = arith.constant 0 : i32
    %dma_start3A_202 = tpu.memref_slice %arg6[%add3A_200, %dma_start3A_201] : memref<819200x128xf32, #tpu.memory_space<hbm>> -> memref<128x128xf32, #tpu.memory_space<hbm>>
    %dma_start3A_203 = arith.constant 0 : i32
    %dma_start3A_204 = tpu.memref_slice %arg6[%add3A_200, %dma_start3A_203] : memref<819200x128xf32, #tpu.memory_space<hbm>> -> memref<128x128xf32, #tpu.memory_space<hbm>>
    tpu.enqueue_dma source(%arg9 : memref<128x128xf32, #tpu.memory_space<vmem>>) target(%dma_start3A_204 : memref<128x128xf32, #tpu.memory_space<hbm>>) target_semaphore(%arg19 : memref<!tpu.dma_semaphore, #tpu.memory_space<semaphore_mem>>)
    %dma_wait3A_205 = arith.constant 0 : i32
    %dma_wait3A_206 = arith.constant 0 : i32
    %dma_wait3A_207 = tpu.memref_slice %arg6[%dma_wait3A_205, %dma_wait3A_206] : memref<819200x128xf32, #tpu.memory_space<hbm>> -> memref<128x128xf32, #tpu.memory_space<hbm>>
    %dma_wait3A_208 = arith.constant 0 : i32
    %dma_wait3A_209 = arith.constant 0 : i32
    %dma_wait3A_210 = tpu.memref_slice %arg6[%dma_wait3A_208, %dma_wait3A_209] : memref<819200x128xf32, #tpu.memory_space<hbm>> -> memref<128x128xf32, #tpu.memory_space<hbm>>
    tpu.wait_dma2 semaphore(%arg21 : memref<!tpu.dma_semaphore, #tpu.memory_space<semaphore_mem>>) src(%arg11 : memref<128x128xf32, #tpu.memory_space<vmem>>) dst(%dma_wait3A_210 : memref<128x128xf32, #tpu.memory_space<hbm>>)
    %dma_start3A_211 = arith.constant 256 : i32
    %dma_start3A_212 = tpu.memref_slice %arg8[%dma_start3A_211] : memref<12800xi32, #tpu.memory_space<vmem>> -> memref<128xi32, #tpu.memory_space<vmem>>
    %dma_start3A_213 = arith.constant 0 : i32
    %dma_start3A_214 = arith.constant 0 : i32
    %dma_start3A_215 = tpu.memref_slice %arg13[%dma_start3A_213, %dma_start3A_214] : memref<3250x128xf32, #tpu.memory_space<vmem_shared>> -> memref<3250x128xf32, #tpu.memory_space<vmem_shared>>
    tpu.enqueue_indirect_dma source(%dma_start3A_215 : memref<3250x128xf32, #tpu.memory_space<vmem_shared>>) target(%arg11 : memref<128x128xf32, #tpu.memory_space<vmem>>) offsets(%dma_start3A_212 : memref<128xi32, #tpu.memory_space<vmem>>) semaphore(%arg17 : memref<!tpu.dma_semaphore, #tpu.memory_space<semaphore_mem>>)
    %dma_wait3A_216 = arith.constant 128 : i32
    %dma_wait3A_217 = tpu.memref_slice %arg8[%dma_wait3A_216] : memref<12800xi32, #tpu.memory_space<vmem>> -> memref<128xi32, #tpu.memory_space<vmem>>
    %dma_wait3A_218 = arith.constant 0 : i32
    %dma_wait3A_219 = arith.constant 0 : i32
    %dma_wait3A_220 = tpu.memref_slice %arg13[%dma_wait3A_218, %dma_wait3A_219] : memref<3250x128xf32, #tpu.memory_space<vmem_shared>> -> memref<3250x128xf32, #tpu.memory_space<vmem_shared>>
    tpu.wait_indirect_dma semaphore(%arg16 : memref<!tpu.dma_semaphore, #tpu.memory_space<semaphore_mem>>) src(%dma_wait3A_220 : memref<3250x128xf32, #tpu.memory_space<vmem_shared>>) dst(%arg10 : memref<128x128xf32, #tpu.memory_space<vmem>>)
    %add3A_221 = arith.constant 128 : i32
    %add3A_222 = arith.addi %add3A_177, %add3A_221 : i32
    %dma_start3A_223 = arith.constant 0 : i32
    %dma_start3A_224 = tpu.memref_slice %arg6[%add3A_222, %dma_start3A_223] : memref<819200x128xf32, #tpu.memory_space<hbm>> -> memref<128x128xf32, #tpu.memory_space<hbm>>
    %dma_start3A_225 = arith.constant 0 : i32
    %dma_start3A_226 = tpu.memref_slice %arg6[%add3A_222, %dma_start3A_225] : memref<819200x128xf32, #tpu.memory_space<hbm>> -> memref<128x128xf32, #tpu.memory_space<hbm>>
    tpu.enqueue_dma source(%arg10 : memref<128x128xf32, #tpu.memory_space<vmem>>) target(%dma_start3A_226 : memref<128x128xf32, #tpu.memory_space<hbm>>) target_semaphore(%arg20 : memref<!tpu.dma_semaphore, #tpu.memory_space<semaphore_mem>>)
    %dma_wait3A_227 = arith.constant 0 : i32
    %dma_wait3A_228 = arith.constant 0 : i32
    %dma_wait3A_229 = tpu.memref_slice %arg6[%dma_wait3A_227, %dma_wait3A_228] : memref<819200x128xf32, #tpu.memory_space<hbm>> -> memref<128x128xf32, #tpu.memory_space<hbm>>
    %dma_wait3A_230 = arith.constant 0 : i32
    %dma_wait3A_231 = arith.constant 0 : i32
    %dma_wait3A_232 = tpu.memref_slice %arg6[%dma_wait3A_230, %dma_wait3A_231] : memref<819200x128xf32, #tpu.memory_space<hbm>> -> memref<128x128xf32, #tpu.memory_space<hbm>>
    tpu.wait_dma2 semaphore(%arg22 : memref<!tpu.dma_semaphore, #tpu.memory_space<semaphore_mem>>) src(%arg12 : memref<128x128xf32, #tpu.memory_space<vmem>>) dst(%dma_wait3A_232 : memref<128x128xf32, #tpu.memory_space<hbm>>)
    %dma_start3A_233 = arith.constant 384 : i32
    %dma_start3A_234 = tpu.memref_slice %arg8[%dma_start3A_233] : memref<12800xi32, #tpu.memory_space<vmem>> -> memref<128xi32, #tpu.memory_space<vmem>>
    %dma_start3A_235 = arith.constant 0 : i32
    %dma_start3A_236 = arith.constant 0 : i32
    %dma_start3A_237 = tpu.memref_slice %arg13[%dma_start3A_235, %dma_start3A_236] : memref<3250x128xf32, #tpu.memory_space<vmem_shared>> -> memref<3250x128xf32, #tpu.memory_space<vmem_shared>>
    tpu.enqueue_indirect_dma source(%dma_start3A_237 : memref<3250x128xf32, #tpu.memory_space<vmem_shared>>) target(%arg12 : memref<128x128xf32, #tpu.memory_space<vmem>>) offsets(%dma_start3A_234 : memref<128xi32, #tpu.memory_space<vmem>>) semaphore(%arg18 : memref<!tpu.dma_semaphore, #tpu.memory_space<semaphore_mem>>)
    %dma_wait3A_238 = arith.constant 256 : i32
    %dma_wait3A_239 = tpu.memref_slice %arg8[%dma_wait3A_238] : memref<12800xi32, #tpu.memory_space<vmem>> -> memref<128xi32, #tpu.memory_space<vmem>>
    %dma_wait3A_240 = arith.constant 0 : i32
    %dma_wait3A_241 = arith.constant 0 : i32
    %dma_wait3A_242 = tpu.memref_slice %arg13[%dma_wait3A_240, %dma_wait3A_241] : memref<3250x128xf32, #tpu.memory_space<vmem_shared>> -> memref<3250x128xf32, #tpu.memory_space<vmem_shared>>
    tpu.wait_indirect_dma semaphore(%arg17 : memref<!tpu.dma_semaphore, #tpu.memory_space<semaphore_mem>>) src(%dma_wait3A_242 : memref<3250x128xf32, #tpu.memory_space<vmem_shared>>) dst(%arg11 : memref<128x128xf32, #tpu.memory_space<vmem>>)
    %add3A_243 = arith.constant 256 : i32
    %add3A_244 = arith.addi %add3A_177, %add3A_243 : i32
    %dma_start3A_245 = arith.constant 0 : i32
    %dma_start3A_246 = tpu.memref_slice %arg6[%add3A_244, %dma_start3A_245] : memref<819200x128xf32, #tpu.memory_space<hbm>> -> memref<128x128xf32, #tpu.memory_space<hbm>>
    %dma_start3A_247 = arith.constant 0 : i32
    %dma_start3A_248 = tpu.memref_slice %arg6[%add3A_244, %dma_start3A_247] : memref<819200x128xf32, #tpu.memory_space<hbm>> -> memref<128x128xf32, #tpu.memory_space<hbm>>
    tpu.enqueue_dma source(%arg11 : memref<128x128xf32, #tpu.memory_space<vmem>>) target(%dma_start3A_248 : memref<128x128xf32, #tpu.memory_space<hbm>>) target_semaphore(%arg21 : memref<!tpu.dma_semaphore, #tpu.memory_space<semaphore_mem>>)
    %scan3A_249 = arith.constant 0 : i32
    %scan3A_250 = arith.constant 0 : i32
    %scan3A_251 = arith.constant 24 : i32
    %scan3A_252 = arith.addi %scan3A_250, %scan3A_251 : i32
    %scan3A_253 = arith.constant 1 : i32
    scf.for %scan3A_386 = %scan3A_250 to %scan3A_252 step %scan3A_253  : i32 {
      %mul3A_387 = arith.constant 4 : i32
      %mul3A_388 = arith.muli %mul3A_387, %scan3A_386 : i32
      %add3A_389 = arith.constant 3 : i32
      %add3A_390 = arith.addi %mul3A_388, %add3A_389 : i32
      %add3A_391 = arith.constant 0 : i32
      %add3A_392 = arith.addi %add3A_390, %add3A_391 : i32
      %dma_wait3A_393 = arith.constant 0 : i32
      %dma_wait3A_394 = arith.constant 0 : i32
      %dma_wait3A_395 = tpu.memref_slice %arg6[%dma_wait3A_393, %dma_wait3A_394] : memref<819200x128xf32, #tpu.memory_space<hbm>> -> memref<128x128xf32, #tpu.memory_space<hbm>>
      %dma_wait3A_396 = arith.constant 0 : i32
      %dma_wait3A_397 = arith.constant 0 : i32
      %dma_wait3A_398 = tpu.memref_slice %arg6[%dma_wait3A_396, %dma_wait3A_397] : memref<819200x128xf32, #tpu.memory_space<hbm>> -> memref<128x128xf32, #tpu.memory_space<hbm>>
      tpu.wait_dma2 semaphore(%arg19 : memref<!tpu.dma_semaphore, #tpu.memory_space<semaphore_mem>>) src(%arg9 : memref<128x128xf32, #tpu.memory_space<vmem>>) dst(%dma_wait3A_398 : memref<128x128xf32, #tpu.memory_space<hbm>>)
      %add3A_399 = arith.constant 1 : i32
      %add3A_400 = arith.addi %add3A_392, %add3A_399 : i32
      %mul3A_401 = arith.constant 128 : i32
      %mul3A_402 = arith.muli %add3A_400, %mul3A_401 : i32
      %dma_start3A_403 = tpu.memref_slice %arg8[%mul3A_402] : memref<12800xi32, #tpu.memory_space<vmem>> -> memref<128xi32, #tpu.memory_space<vmem>>
      %dma_start3A_404 = arith.constant 0 : i32
      %dma_start3A_405 = arith.constant 0 : i32
      %dma_start3A_406 = tpu.memref_slice %arg13[%dma_start3A_404, %dma_start3A_405] : memref<3250x128xf32, #tpu.memory_space<vmem_shared>> -> memref<3250x128xf32, #tpu.memory_space<vmem_shared>>
      tpu.enqueue_indirect_dma source(%dma_start3A_406 : memref<3250x128xf32, #tpu.memory_space<vmem_shared>>) target(%arg9 : memref<128x128xf32, #tpu.memory_space<vmem>>) offsets(%dma_start3A_403 : memref<128xi32, #tpu.memory_space<vmem>>) semaphore(%arg15 : memref<!tpu.dma_semaphore, #tpu.memory_space<semaphore_mem>>)
      %mul3A_407 = arith.constant 128 : i32
      %mul3A_408 = arith.muli %add3A_392, %mul3A_407 : i32
      %dma_wait3A_409 = tpu.memref_slice %arg8[%mul3A_408] : memref<12800xi32, #tpu.memory_space<vmem>> -> memref<128xi32, #tpu.memory_space<vmem>>
      %dma_wait3A_410 = arith.constant 0 : i32
      %dma_wait3A_411 = arith.constant 0 : i32
      %dma_wait3A_412 = tpu.memref_slice %arg13[%dma_wait3A_410, %dma_wait3A_411] : memref<3250x128xf32, #tpu.memory_space<vmem_shared>> -> memref<3250x128xf32, #tpu.memory_space<vmem_shared>>
      tpu.wait_indirect_dma semaphore(%arg18 : memref<!tpu.dma_semaphore, #tpu.memory_space<semaphore_mem>>) src(%dma_wait3A_412 : memref<3250x128xf32, #tpu.memory_space<vmem_shared>>) dst(%arg12 : memref<128x128xf32, #tpu.memory_space<vmem>>)
      %mul3A_413 = arith.constant 128 : i32
      %mul3A_414 = arith.muli %add3A_392, %mul3A_413 : i32
      %add3A_415 = arith.addi %add3A_177, %mul3A_414 : i32
      %dma_start3A_416 = arith.constant 0 : i32
      %dma_start3A_417 = tpu.memref_slice %arg6[%add3A_415, %dma_start3A_416] : memref<819200x128xf32, #tpu.memory_space<hbm>> -> memref<128x128xf32, #tpu.memory_space<hbm>>
      %dma_start3A_418 = arith.constant 0 : i32
      %dma_start3A_419 = tpu.memref_slice %arg6[%add3A_415, %dma_start3A_418] : memref<819200x128xf32, #tpu.memory_space<hbm>> -> memref<128x128xf32, #tpu.memory_space<hbm>>
      tpu.enqueue_dma source(%arg12 : memref<128x128xf32, #tpu.memory_space<vmem>>) target(%dma_start3A_419 : memref<128x128xf32, #tpu.memory_space<hbm>>) target_semaphore(%arg22 : memref<!tpu.dma_semaphore, #tpu.memory_space<semaphore_mem>>)
      %add3A_420 = arith.constant 1 : i32
      %add3A_421 = arith.addi %add3A_390, %add3A_420 : i32
      %dma_wait3A_422 = arith.constant 0 : i32
      %dma_wait3A_423 = arith.constant 0 : i32
      %dma_wait3A_424 = tpu.memref_slice %arg6[%dma_wait3A_422, %dma_wait3A_423] : memref<819200x128xf32, #tpu.memory_space<hbm>> -> memref<128x128xf32, #tpu.memory_space<hbm>>
      %dma_wait3A_425 = arith.constant 0 : i32
      %dma_wait3A_426 = arith.constant 0 : i32
      %dma_wait3A_427 = tpu.memref_slice %arg6[%dma_wait3A_425, %dma_wait3A_426] : memref<819200x128xf32, #tpu.memory_space<hbm>> -> memref<128x128xf32, #tpu.memory_space<hbm>>
      tpu.wait_dma2 semaphore(%arg20 : memref<!tpu.dma_semaphore, #tpu.memory_space<semaphore_mem>>) src(%arg10 : memref<128x128xf32, #tpu.memory_space<vmem>>) dst(%dma_wait3A_427 : memref<128x128xf32, #tpu.memory_space<hbm>>)
      %add3A_428 = arith.constant 1 : i32
      %add3A_429 = arith.addi %add3A_421, %add3A_428 : i32
      %mul3A_430 = arith.constant 128 : i32
      %mul3A_431 = arith.muli %add3A_429, %mul3A_430 : i32
      %dma_start3A_432 = tpu.memref_slice %arg8[%mul3A_431] : memref<12800xi32, #tpu.memory_space<vmem>> -> memref<128xi32, #tpu.memory_space<vmem>>
      %dma_start3A_433 = arith.constant 0 : i32
      %dma_start3A_434 = arith.constant 0 : i32
      %dma_start3A_435 = tpu.memref_slice %arg13[%dma_start3A_433, %dma_start3A_434] : memref<3250x128xf32, #tpu.memory_space<vmem_shared>> -> memref<3250x128xf32, #tpu.memory_space<vmem_shared>>
      tpu.enqueue_indirect_dma source(%dma_start3A_435 : memref<3250x128xf32, #tpu.memory_space<vmem_shared>>) target(%arg10 : memref<128x128xf32, #tpu.memory_space<vmem>>) offsets(%dma_start3A_432 : memref<128xi32, #tpu.memory_space<vmem>>) semaphore(%arg16 : memref<!tpu.dma_semaphore, #tpu.memory_space<semaphore_mem>>)
      %mul3A_436 = arith.constant 128 : i32
      %mul3A_437 = arith.muli %add3A_421, %mul3A_436 : i32
      %dma_wait3A_438 = tpu.memref_slice %arg8[%mul3A_437] : memref<12800xi32, #tpu.memory_space<vmem>> -> memref<128xi32, #tpu.memory_space<vmem>>
      %dma_wait3A_439 = arith.constant 0 : i32
      %dma_wait3A_440 = arith.constant 0 : i32
      %dma_wait3A_441 = tpu.memref_slice %arg13[%dma_wait3A_439, %dma_wait3A_440] : memref<3250x128xf32, #tpu.memory_space<vmem_shared>> -> memref<3250x128xf32, #tpu.memory_space<vmem_shared>>
      tpu.wait_indirect_dma semaphore(%arg15 : memref<!tpu.dma_semaphore, #tpu.memory_space<semaphore_mem>>) src(%dma_wait3A_441 : memref<3250x128xf32, #tpu.memory_space<vmem_shared>>) dst(%arg9 : memref<128x128xf32, #tpu.memory_space<vmem>>)
      %mul3A_442 = arith.constant 128 : i32
      %mul3A_443 = arith.muli %add3A_421, %mul3A_442 : i32
      %add3A_444 = arith.addi %add3A_177, %mul3A_443 : i32
      %dma_start3A_445 = arith.constant 0 : i32
      %dma_start3A_446 = tpu.memref_slice %arg6[%add3A_444, %dma_start3A_445] : memref<819200x128xf32, #tpu.memory_space<hbm>> -> memref<128x128xf32, #tpu.memory_space<hbm>>
      %dma_start3A_447 = arith.constant 0 : i32
      %dma_start3A_448 = tpu.memref_slice %arg6[%add3A_444, %dma_start3A_447] : memref<819200x128xf32, #tpu.memory_space<hbm>> -> memref<128x128xf32, #tpu.memory_space<hbm>>
      tpu.enqueue_dma source(%arg9 : memref<128x128xf32, #tpu.memory_space<vmem>>) target(%dma_start3A_448 : memref<128x128xf32, #tpu.memory_space<hbm>>) target_semaphore(%arg19 : memref<!tpu.dma_semaphore, #tpu.memory_space<semaphore_mem>>)
      %add3A_449 = arith.constant 2 : i32
      %add3A_450 = arith.addi %add3A_390, %add3A_449 : i32
      %dma_wait3A_451 = arith.constant 0 : i32
      %dma_wait3A_452 = arith.constant 0 : i32
      %dma_wait3A_453 = tpu.memref_slice %arg6[%dma_wait3A_451, %dma_wait3A_452] : memref<819200x128xf32, #tpu.memory_space<hbm>> -> memref<128x128xf32, #tpu.memory_space<hbm>>
      %dma_wait3A_454 = arith.constant 0 : i32
      %dma_wait3A_455 = arith.constant 0 : i32
      %dma_wait3A_456 = tpu.memref_slice %arg6[%dma_wait3A_454, %dma_wait3A_455] : memref<819200x128xf32, #tpu.memory_space<hbm>> -> memref<128x128xf32, #tpu.memory_space<hbm>>
      tpu.wait_dma2 semaphore(%arg21 : memref<!tpu.dma_semaphore, #tpu.memory_space<semaphore_mem>>) src(%arg11 : memref<128x128xf32, #tpu.memory_space<vmem>>) dst(%dma_wait3A_456 : memref<128x128xf32, #tpu.memory_space<hbm>>)
      %add3A_457 = arith.constant 1 : i32
      %add3A_458 = arith.addi %add3A_450, %add3A_457 : i32
      %mul3A_459 = arith.constant 128 : i32
      %mul3A_460 = arith.muli %add3A_458, %mul3A_459 : i32
      %dma_start3A_461 = tpu.memref_slice %arg8[%mul3A_460] : memref<12800xi32, #tpu.memory_space<vmem>> -> memref<128xi32, #tpu.memory_space<vmem>>
      %dma_start3A_462 = arith.constant 0 : i32
      %dma_start3A_463 = arith.constant 0 : i32
      %dma_start3A_464 = tpu.memref_slice %arg13[%dma_start3A_462, %dma_start3A_463] : memref<3250x128xf32, #tpu.memory_space<vmem_shared>> -> memref<3250x128xf32, #tpu.memory_space<vmem_shared>>
      tpu.enqueue_indirect_dma source(%dma_start3A_464 : memref<3250x128xf32, #tpu.memory_space<vmem_shared>>) target(%arg11 : memref<128x128xf32, #tpu.memory_space<vmem>>) offsets(%dma_start3A_461 : memref<128xi32, #tpu.memory_space<vmem>>) semaphore(%arg17 : memref<!tpu.dma_semaphore, #tpu.memory_space<semaphore_mem>>)
      %mul3A_465 = arith.constant 128 : i32
      %mul3A_466 = arith.muli %add3A_450, %mul3A_465 : i32
      %dma_wait3A_467 = tpu.memref_slice %arg8[%mul3A_466] : memref<12800xi32, #tpu.memory_space<vmem>> -> memref<128xi32, #tpu.memory_space<vmem>>
      %dma_wait3A_468 = arith.constant 0 : i32
      %dma_wait3A_469 = arith.constant 0 : i32
      %dma_wait3A_470 = tpu.memref_slice %arg13[%dma_wait3A_468, %dma_wait3A_469] : memref<3250x128xf32, #tpu.memory_space<vmem_shared>> -> memref<3250x128xf32, #tpu.memory_space<vmem_shared>>
      tpu.wait_indirect_dma semaphore(%arg16 : memref<!tpu.dma_semaphore, #tpu.memory_space<semaphore_mem>>) src(%dma_wait3A_470 : memref<3250x128xf32, #tpu.memory_space<vmem_shared>>) dst(%arg10 : memref<128x128xf32, #tpu.memory_space<vmem>>)
      %mul3A_471 = arith.constant 128 : i32
      %mul3A_472 = arith.muli %add3A_450, %mul3A_471 : i32
      %add3A_473 = arith.addi %add3A_177, %mul3A_472 : i32
      %dma_start3A_474 = arith.constant 0 : i32
      %dma_start3A_475 = tpu.memref_slice %arg6[%add3A_473, %dma_start3A_474] : memref<819200x128xf32, #tpu.memory_space<hbm>> -> memref<128x128xf32, #tpu.memory_space<hbm>>
      %dma_start3A_476 = arith.constant 0 : i32
      %dma_start3A_477 = tpu.memref_slice %arg6[%add3A_473, %dma_start3A_476] : memref<819200x128xf32, #tpu.memory_space<hbm>> -> memref<128x128xf32, #tpu.memory_space<hbm>>
      tpu.enqueue_dma source(%arg10 : memref<128x128xf32, #tpu.memory_space<vmem>>) target(%dma_start3A_477 : memref<128x128xf32, #tpu.memory_space<hbm>>) target_semaphore(%arg20 : memref<!tpu.dma_semaphore, #tpu.memory_space<semaphore_mem>>)
      %add3A_478 = arith.constant 3 : i32
      %add3A_479 = arith.addi %add3A_390, %add3A_478 : i32
      %dma_wait3A_480 = arith.constant 0 : i32
      %dma_wait3A_481 = arith.constant 0 : i32
      %dma_wait3A_482 = tpu.memref_slice %arg6[%dma_wait3A_480, %dma_wait3A_481] : memref<819200x128xf32, #tpu.memory_space<hbm>> -> memref<128x128xf32, #tpu.memory_space<hbm>>
      %dma_wait3A_483 = arith.constant 0 : i32
      %dma_wait3A_484 = arith.constant 0 : i32
      %dma_wait3A_485 = tpu.memref_slice %arg6[%dma_wait3A_483, %dma_wait3A_484] : memref<819200x128xf32, #tpu.memory_space<hbm>> -> memref<128x128xf32, #tpu.memory_space<hbm>>
      tpu.wait_dma2 semaphore(%arg22 : memref<!tpu.dma_semaphore, #tpu.memory_space<semaphore_mem>>) src(%arg12 : memref<128x128xf32, #tpu.memory_space<vmem>>) dst(%dma_wait3A_485 : memref<128x128xf32, #tpu.memory_space<hbm>>)
      %add3A_486 = arith.constant 1 : i32
      %add3A_487 = arith.addi %add3A_479, %add3A_486 : i32
      %mul3A_488 = arith.constant 128 : i32
      %mul3A_489 = arith.muli %add3A_487, %mul3A_488 : i32
      %dma_start3A_490 = tpu.memref_slice %arg8[%mul3A_489] : memref<12800xi32, #tpu.memory_space<vmem>> -> memref<128xi32, #tpu.memory_space<vmem>>
      %dma_start3A_491 = arith.constant 0 : i32
      %dma_start3A_492 = arith.constant 0 : i32
      %dma_start3A_493 = tpu.memref_slice %arg13[%dma_start3A_491, %dma_start3A_492] : memref<3250x128xf32, #tpu.memory_space<vmem_shared>> -> memref<3250x128xf32, #tpu.memory_space<vmem_shared>>
      tpu.enqueue_indirect_dma source(%dma_start3A_493 : memref<3250x128xf32, #tpu.memory_space<vmem_shared>>) target(%arg12 : memref<128x128xf32, #tpu.memory_space<vmem>>) offsets(%dma_start3A_490 : memref<128xi32, #tpu.memory_space<vmem>>) semaphore(%arg18 : memref<!tpu.dma_semaphore, #tpu.memory_space<semaphore_mem>>)
      %mul3A_494 = arith.constant 128 : i32
      %mul3A_495 = arith.muli %add3A_479, %mul3A_494 : i32
      %dma_wait3A_496 = tpu.memref_slice %arg8[%mul3A_495] : memref<12800xi32, #tpu.memory_space<vmem>> -> memref<128xi32, #tpu.memory_space<vmem>>
      %dma_wait3A_497 = arith.constant 0 : i32
      %dma_wait3A_498 = arith.constant 0 : i32
      %dma_wait3A_499 = tpu.memref_slice %arg13[%dma_wait3A_497, %dma_wait3A_498] : memref<3250x128xf32, #tpu.memory_space<vmem_shared>> -> memref<3250x128xf32, #tpu.memory_space<vmem_shared>>
      tpu.wait_indirect_dma semaphore(%arg17 : memref<!tpu.dma_semaphore, #tpu.memory_space<semaphore_mem>>) src(%dma_wait3A_499 : memref<3250x128xf32, #tpu.memory_space<vmem_shared>>) dst(%arg11 : memref<128x128xf32, #tpu.memory_space<vmem>>)
      %mul3A_500 = arith.constant 128 : i32
      %mul3A_501 = arith.muli %add3A_479, %mul3A_500 : i32
      %add3A_502 = arith.addi %add3A_177, %mul3A_501 : i32
      %dma_start3A_503 = arith.constant 0 : i32
      %dma_start3A_504 = tpu.memref_slice %arg6[%add3A_502, %dma_start3A_503] : memref<819200x128xf32, #tpu.memory_space<hbm>> -> memref<128x128xf32, #tpu.memory_space<hbm>>
      %dma_start3A_505 = arith.constant 0 : i32
      %dma_start3A_506 = tpu.memref_slice %arg6[%add3A_502, %dma_start3A_505] : memref<819200x128xf32, #tpu.memory_space<hbm>> -> memref<128x128xf32, #tpu.memory_space<hbm>>
      tpu.enqueue_dma source(%arg11 : memref<128x128xf32, #tpu.memory_space<vmem>>) target(%dma_start3A_506 : memref<128x128xf32, #tpu.memory_space<hbm>>) target_semaphore(%arg21 : memref<!tpu.dma_semaphore, #tpu.memory_space<semaphore_mem>>)
    }
    %scan3A_254 = arith.constant 24 : i32
    %dma_wait3A_255 = arith.constant 0 : i32
    %dma_wait3A_256 = arith.constant 0 : i32
    %dma_wait3A_257 = tpu.memref_slice %arg6[%dma_wait3A_255, %dma_wait3A_256] : memref<819200x128xf32, #tpu.memory_space<hbm>> -> memref<128x128xf32, #tpu.memory_space<hbm>>
    %dma_wait3A_258 = arith.constant 0 : i32
    %dma_wait3A_259 = arith.constant 0 : i32
    %dma_wait3A_260 = tpu.memref_slice %arg6[%dma_wait3A_258, %dma_wait3A_259] : memref<819200x128xf32, #tpu.memory_space<hbm>> -> memref<128x128xf32, #tpu.memory_space<hbm>>
    tpu.wait_dma2 semaphore(%arg19 : memref<!tpu.dma_semaphore, #tpu.memory_space<semaphore_mem>>) src(%arg9 : memref<128x128xf32, #tpu.memory_space<vmem>>) dst(%dma_wait3A_260 : memref<128x128xf32, #tpu.memory_space<hbm>>)
    %dma_wait3A_261 = arith.constant 12672 : i32
    %dma_wait3A_262 = tpu.memref_slice %arg8[%dma_wait3A_261] : memref<12800xi32, #tpu.memory_space<vmem>> -> memref<128xi32, #tpu.memory_space<vmem>>
    %dma_wait3A_263 = arith.constant 0 : i32
    %dma_wait3A_264 = arith.constant 0 : i32
    %dma_wait3A_265 = tpu.memref_slice %arg13[%dma_wait3A_263, %dma_wait3A_264] : memref<3250x128xf32, #tpu.memory_space<vmem_shared>> -> memref<3250x128xf32, #tpu.memory_space<vmem_shared>>
    tpu.wait_indirect_dma semaphore(%arg18 : memref<!tpu.dma_semaphore, #tpu.memory_space<semaphore_mem>>) src(%dma_wait3A_265 : memref<3250x128xf32, #tpu.memory_space<vmem_shared>>) dst(%arg12 : memref<128x128xf32, #tpu.memory_space<vmem>>)
    %add3A_266 = arith.constant 12672 : i32
    %add3A_267 = arith.addi %add3A_177, %add3A_266 : i32
    %dma_start3A_268 = arith.constant 0 : i32
    %dma_start3A_269 = tpu.memref_slice %arg6[%add3A_267, %dma_start3A_268] : memref<819200x128xf32, #tpu.memory_space<hbm>> -> memref<128x128xf32, #tpu.memory_space<hbm>>
    %dma_start3A_270 = arith.constant 0 : i32
    %dma_start3A_271 = tpu.memref_slice %arg6[%add3A_267, %dma_start3A_270] : memref<819200x128xf32, #tpu.memory_space<hbm>> -> memref<128x128xf32, #tpu.memory_space<hbm>>
    tpu.enqueue_dma source(%arg12 : memref<128x128xf32, #tpu.memory_space<vmem>>) target(%dma_start3A_271 : memref<128x128xf32, #tpu.memory_space<hbm>>) target_semaphore(%arg22 : memref<!tpu.dma_semaphore, #tpu.memory_space<semaphore_mem>>)
    %add3A_272 = arith.constant 12800 : i32
    %add3A_273 = arith.addi %mul3A_2, %add3A_272 : i32
    "tpu.region"() ({
      %run_scoped3A = tpu.sem_alloc : memref<!tpu.dma_semaphore, #tpu.memory_space<semaphore_mem>>
      %dma_start3A_386 = tpu.memref_slice %arg3[%add3A_273] : memref<819200xi32, #tpu.memory_space<hbm>> -> memref<12800xi32, #tpu.memory_space<hbm>>
      %dma_start3A_387 = tpu.memref_slice %arg3[%add3A_273] : memref<819200xi32, #tpu.memory_space<hbm>> -> memref<12800xi32, #tpu.memory_space<hbm>>
      tpu.enqueue_dma source(%dma_start3A_387 : memref<12800xi32, #tpu.memory_space<hbm>>) target(%arg8 : memref<12800xi32, #tpu.memory_space<vmem>>) target_semaphore(%run_scoped3A : memref<!tpu.dma_semaphore, #tpu.memory_space<semaphore_mem>>)
      %dma_wait3A_388 = tpu.memref_slice %arg3[%add3A_273] : memref<819200xi32, #tpu.memory_space<hbm>> -> memref<12800xi32, #tpu.memory_space<hbm>>
      %dma_wait3A_389 = tpu.memref_slice %arg3[%add3A_273] : memref<819200xi32, #tpu.memory_space<hbm>> -> memref<12800xi32, #tpu.memory_space<hbm>>
      tpu.wait_dma2 semaphore(%run_scoped3A : memref<!tpu.dma_semaphore, #tpu.memory_space<semaphore_mem>>) src(%dma_wait3A_389 : memref<12800xi32, #tpu.memory_space<hbm>>) dst(%arg8 : memref<12800xi32, #tpu.memory_space<vmem>>)
      tpu.yield
    }) : () -> ()
    %dma_start3A_274 = arith.constant 0 : i32
    %dma_start3A_275 = tpu.memref_slice %arg8[%dma_start3A_274] : memref<12800xi32, #tpu.memory_space<vmem>> -> memref<128xi32, #tpu.memory_space<vmem>>
    %dma_start3A_276 = arith.constant 0 : i32
    %dma_start3A_277 = arith.constant 0 : i32
    %dma_start3A_278 = tpu.memref_slice %arg14[%dma_start3A_276, %dma_start3A_277] : memref<2211x128xf32, #tpu.memory_space<vmem_shared>> -> memref<2211x128xf32, #tpu.memory_space<vmem_shared>>
    tpu.enqueue_indirect_dma source(%dma_start3A_278 : memref<2211x128xf32, #tpu.memory_space<vmem_shared>>) target(%arg9 : memref<128x128xf32, #tpu.memory_space<vmem>>) offsets(%dma_start3A_275 : memref<128xi32, #tpu.memory_space<vmem>>) semaphore(%arg15 : memref<!tpu.dma_semaphore, #tpu.memory_space<semaphore_mem>>)
    %dma_wait3A_279 = arith.constant 0 : i32
    %dma_wait3A_280 = arith.constant 0 : i32
    %dma_wait3A_281 = tpu.memref_slice %arg7[%dma_wait3A_279, %dma_wait3A_280] : memref<819200x128xf32, #tpu.memory_space<hbm>> -> memref<128x128xf32, #tpu.memory_space<hbm>>
    %dma_wait3A_282 = arith.constant 0 : i32
    %dma_wait3A_283 = arith.constant 0 : i32
    %dma_wait3A_284 = tpu.memref_slice %arg7[%dma_wait3A_282, %dma_wait3A_283] : memref<819200x128xf32, #tpu.memory_space<hbm>> -> memref<128x128xf32, #tpu.memory_space<hbm>>
    tpu.wait_dma2 semaphore(%arg20 : memref<!tpu.dma_semaphore, #tpu.memory_space<semaphore_mem>>) src(%arg10 : memref<128x128xf32, #tpu.memory_space<vmem>>) dst(%dma_wait3A_284 : memref<128x128xf32, #tpu.memory_space<hbm>>)
    %dma_start3A_285 = arith.constant 128 : i32
    %dma_start3A_286 = tpu.memref_slice %arg8[%dma_start3A_285] : memref<12800xi32, #tpu.memory_space<vmem>> -> memref<128xi32, #tpu.memory_space<vmem>>
    %dma_start3A_287 = arith.constant 0 : i32
    %dma_start3A_288 = arith.constant 0 : i32
    %dma_start3A_289 = tpu.memref_slice %arg14[%dma_start3A_287, %dma_start3A_288] : memref<2211x128xf32, #tpu.memory_space<vmem_shared>> -> memref<2211x128xf32, #tpu.memory_space<vmem_shared>>
    tpu.enqueue_indirect_dma source(%dma_start3A_289 : memref<2211x128xf32, #tpu.memory_space<vmem_shared>>) target(%arg10 : memref<128x128xf32, #tpu.memory_space<vmem>>) offsets(%dma_start3A_286 : memref<128xi32, #tpu.memory_space<vmem>>) semaphore(%arg16 : memref<!tpu.dma_semaphore, #tpu.memory_space<semaphore_mem>>)
    %dma_wait3A_290 = arith.constant 0 : i32
    %dma_wait3A_291 = tpu.memref_slice %arg8[%dma_wait3A_290] : memref<12800xi32, #tpu.memory_space<vmem>> -> memref<128xi32, #tpu.memory_space<vmem>>
    %dma_wait3A_292 = arith.constant 0 : i32
    %dma_wait3A_293 = arith.constant 0 : i32
    %dma_wait3A_294 = tpu.memref_slice %arg14[%dma_wait3A_292, %dma_wait3A_293] : memref<2211x128xf32, #tpu.memory_space<vmem_shared>> -> memref<2211x128xf32, #tpu.memory_space<vmem_shared>>
    tpu.wait_indirect_dma semaphore(%arg15 : memref<!tpu.dma_semaphore, #tpu.memory_space<semaphore_mem>>) src(%dma_wait3A_294 : memref<2211x128xf32, #tpu.memory_space<vmem_shared>>) dst(%arg9 : memref<128x128xf32, #tpu.memory_space<vmem>>)
    %add3A_295 = arith.constant 0 : i32
    %add3A_296 = arith.addi %add3A_273, %add3A_295 : i32
    %dma_start3A_297 = arith.constant 0 : i32
    %dma_start3A_298 = tpu.memref_slice %arg7[%add3A_296, %dma_start3A_297] : memref<819200x128xf32, #tpu.memory_space<hbm>> -> memref<128x128xf32, #tpu.memory_space<hbm>>
    %dma_start3A_299 = arith.constant 0 : i32
    %dma_start3A_300 = tpu.memref_slice %arg7[%add3A_296, %dma_start3A_299] : memref<819200x128xf32, #tpu.memory_space<hbm>> -> memref<128x128xf32, #tpu.memory_space<hbm>>
    tpu.enqueue_dma source(%arg9 : memref<128x128xf32, #tpu.memory_space<vmem>>) target(%dma_start3A_300 : memref<128x128xf32, #tpu.memory_space<hbm>>) target_semaphore(%arg19 : memref<!tpu.dma_semaphore, #tpu.memory_space<semaphore_mem>>)
    %dma_wait3A_301 = arith.constant 0 : i32
    %dma_wait3A_302 = arith.constant 0 : i32
    %dma_wait3A_303 = tpu.memref_slice %arg7[%dma_wait3A_301, %dma_wait3A_302] : memref<819200x128xf32, #tpu.memory_space<hbm>> -> memref<128x128xf32, #tpu.memory_space<hbm>>
    %dma_wait3A_304 = arith.constant 0 : i32
    %dma_wait3A_305 = arith.constant 0 : i32
    %dma_wait3A_306 = tpu.memref_slice %arg7[%dma_wait3A_304, %dma_wait3A_305] : memref<819200x128xf32, #tpu.memory_space<hbm>> -> memref<128x128xf32, #tpu.memory_space<hbm>>
    tpu.wait_dma2 semaphore(%arg21 : memref<!tpu.dma_semaphore, #tpu.memory_space<semaphore_mem>>) src(%arg11 : memref<128x128xf32, #tpu.memory_space<vmem>>) dst(%dma_wait3A_306 : memref<128x128xf32, #tpu.memory_space<hbm>>)
    %dma_start3A_307 = arith.constant 256 : i32
    %dma_start3A_308 = tpu.memref_slice %arg8[%dma_start3A_307] : memref<12800xi32, #tpu.memory_space<vmem>> -> memref<128xi32, #tpu.memory_space<vmem>>
    %dma_start3A_309 = arith.constant 0 : i32
    %dma_start3A_310 = arith.constant 0 : i32
    %dma_start3A_311 = tpu.memref_slice %arg14[%dma_start3A_309, %dma_start3A_310] : memref<2211x128xf32, #tpu.memory_space<vmem_shared>> -> memref<2211x128xf32, #tpu.memory_space<vmem_shared>>
    tpu.enqueue_indirect_dma source(%dma_start3A_311 : memref<2211x128xf32, #tpu.memory_space<vmem_shared>>) target(%arg11 : memref<128x128xf32, #tpu.memory_space<vmem>>) offsets(%dma_start3A_308 : memref<128xi32, #tpu.memory_space<vmem>>) semaphore(%arg17 : memref<!tpu.dma_semaphore, #tpu.memory_space<semaphore_mem>>)
    %dma_wait3A_312 = arith.constant 128 : i32
    %dma_wait3A_313 = tpu.memref_slice %arg8[%dma_wait3A_312] : memref<12800xi32, #tpu.memory_space<vmem>> -> memref<128xi32, #tpu.memory_space<vmem>>
    %dma_wait3A_314 = arith.constant 0 : i32
    %dma_wait3A_315 = arith.constant 0 : i32
    %dma_wait3A_316 = tpu.memref_slice %arg14[%dma_wait3A_314, %dma_wait3A_315] : memref<2211x128xf32, #tpu.memory_space<vmem_shared>> -> memref<2211x128xf32, #tpu.memory_space<vmem_shared>>
    tpu.wait_indirect_dma semaphore(%arg16 : memref<!tpu.dma_semaphore, #tpu.memory_space<semaphore_mem>>) src(%dma_wait3A_316 : memref<2211x128xf32, #tpu.memory_space<vmem_shared>>) dst(%arg10 : memref<128x128xf32, #tpu.memory_space<vmem>>)
    %add3A_317 = arith.constant 128 : i32
    %add3A_318 = arith.addi %add3A_273, %add3A_317 : i32
    %dma_start3A_319 = arith.constant 0 : i32
    %dma_start3A_320 = tpu.memref_slice %arg7[%add3A_318, %dma_start3A_319] : memref<819200x128xf32, #tpu.memory_space<hbm>> -> memref<128x128xf32, #tpu.memory_space<hbm>>
    %dma_start3A_321 = arith.constant 0 : i32
    %dma_start3A_322 = tpu.memref_slice %arg7[%add3A_318, %dma_start3A_321] : memref<819200x128xf32, #tpu.memory_space<hbm>> -> memref<128x128xf32, #tpu.memory_space<hbm>>
    tpu.enqueue_dma source(%arg10 : memref<128x128xf32, #tpu.memory_space<vmem>>) target(%dma_start3A_322 : memref<128x128xf32, #tpu.memory_space<hbm>>) target_semaphore(%arg20 : memref<!tpu.dma_semaphore, #tpu.memory_space<semaphore_mem>>)
    %dma_wait3A_323 = arith.constant 0 : i32
    %dma_wait3A_324 = arith.constant 0 : i32
    %dma_wait3A_325 = tpu.memref_slice %arg7[%dma_wait3A_323, %dma_wait3A_324] : memref<819200x128xf32, #tpu.memory_space<hbm>> -> memref<128x128xf32, #tpu.memory_space<hbm>>
    %dma_wait3A_326 = arith.constant 0 : i32
    %dma_wait3A_327 = arith.constant 0 : i32
    %dma_wait3A_328 = tpu.memref_slice %arg7[%dma_wait3A_326, %dma_wait3A_327] : memref<819200x128xf32, #tpu.memory_space<hbm>> -> memref<128x128xf32, #tpu.memory_space<hbm>>
    tpu.wait_dma2 semaphore(%arg22 : memref<!tpu.dma_semaphore, #tpu.memory_space<semaphore_mem>>) src(%arg12 : memref<128x128xf32, #tpu.memory_space<vmem>>) dst(%dma_wait3A_328 : memref<128x128xf32, #tpu.memory_space<hbm>>)
    %dma_start3A_329 = arith.constant 384 : i32
    %dma_start3A_330 = tpu.memref_slice %arg8[%dma_start3A_329] : memref<12800xi32, #tpu.memory_space<vmem>> -> memref<128xi32, #tpu.memory_space<vmem>>
    %dma_start3A_331 = arith.constant 0 : i32
    %dma_start3A_332 = arith.constant 0 : i32
    %dma_start3A_333 = tpu.memref_slice %arg14[%dma_start3A_331, %dma_start3A_332] : memref<2211x128xf32, #tpu.memory_space<vmem_shared>> -> memref<2211x128xf32, #tpu.memory_space<vmem_shared>>
    tpu.enqueue_indirect_dma source(%dma_start3A_333 : memref<2211x128xf32, #tpu.memory_space<vmem_shared>>) target(%arg12 : memref<128x128xf32, #tpu.memory_space<vmem>>) offsets(%dma_start3A_330 : memref<128xi32, #tpu.memory_space<vmem>>) semaphore(%arg18 : memref<!tpu.dma_semaphore, #tpu.memory_space<semaphore_mem>>)
    %dma_wait3A_334 = arith.constant 256 : i32
    %dma_wait3A_335 = tpu.memref_slice %arg8[%dma_wait3A_334] : memref<12800xi32, #tpu.memory_space<vmem>> -> memref<128xi32, #tpu.memory_space<vmem>>
    %dma_wait3A_336 = arith.constant 0 : i32
    %dma_wait3A_337 = arith.constant 0 : i32
    %dma_wait3A_338 = tpu.memref_slice %arg14[%dma_wait3A_336, %dma_wait3A_337] : memref<2211x128xf32, #tpu.memory_space<vmem_shared>> -> memref<2211x128xf32, #tpu.memory_space<vmem_shared>>
    tpu.wait_indirect_dma semaphore(%arg17 : memref<!tpu.dma_semaphore, #tpu.memory_space<semaphore_mem>>) src(%dma_wait3A_338 : memref<2211x128xf32, #tpu.memory_space<vmem_shared>>) dst(%arg11 : memref<128x128xf32, #tpu.memory_space<vmem>>)
    %add3A_339 = arith.constant 256 : i32
    %add3A_340 = arith.addi %add3A_273, %add3A_339 : i32
    %dma_start3A_341 = arith.constant 0 : i32
    %dma_start3A_342 = tpu.memref_slice %arg7[%add3A_340, %dma_start3A_341] : memref<819200x128xf32, #tpu.memory_space<hbm>> -> memref<128x128xf32, #tpu.memory_space<hbm>>
    %dma_start3A_343 = arith.constant 0 : i32
    %dma_start3A_344 = tpu.memref_slice %arg7[%add3A_340, %dma_start3A_343] : memref<819200x128xf32, #tpu.memory_space<hbm>> -> memref<128x128xf32, #tpu.memory_space<hbm>>
    tpu.enqueue_dma source(%arg11 : memref<128x128xf32, #tpu.memory_space<vmem>>) target(%dma_start3A_344 : memref<128x128xf32, #tpu.memory_space<hbm>>) target_semaphore(%arg21 : memref<!tpu.dma_semaphore, #tpu.memory_space<semaphore_mem>>)
    %scan3A_345 = arith.constant 0 : i32
    %scan3A_346 = arith.constant 0 : i32
    %scan3A_347 = arith.constant 24 : i32
    %scan3A_348 = arith.addi %scan3A_346, %scan3A_347 : i32
    %scan3A_349 = arith.constant 1 : i32
    scf.for %scan3A_386 = %scan3A_346 to %scan3A_348 step %scan3A_349  : i32 {
      %mul3A_387 = arith.constant 4 : i32
      %mul3A_388 = arith.muli %mul3A_387, %scan3A_386 : i32
      %add3A_389 = arith.constant 3 : i32
      %add3A_390 = arith.addi %mul3A_388, %add3A_389 : i32
      %add3A_391 = arith.constant 0 : i32
      %add3A_392 = arith.addi %add3A_390, %add3A_391 : i32
      %dma_wait3A_393 = arith.constant 0 : i32
      %dma_wait3A_394 = arith.constant 0 : i32
      %dma_wait3A_395 = tpu.memref_slice %arg7[%dma_wait3A_393, %dma_wait3A_394] : memref<819200x128xf32, #tpu.memory_space<hbm>> -> memref<128x128xf32, #tpu.memory_space<hbm>>
      %dma_wait3A_396 = arith.constant 0 : i32
      %dma_wait3A_397 = arith.constant 0 : i32
      %dma_wait3A_398 = tpu.memref_slice %arg7[%dma_wait3A_396, %dma_wait3A_397] : memref<819200x128xf32, #tpu.memory_space<hbm>> -> memref<128x128xf32, #tpu.memory_space<hbm>>
      tpu.wait_dma2 semaphore(%arg19 : memref<!tpu.dma_semaphore, #tpu.memory_space<semaphore_mem>>) src(%arg9 : memref<128x128xf32, #tpu.memory_space<vmem>>) dst(%dma_wait3A_398 : memref<128x128xf32, #tpu.memory_space<hbm>>)
      %add3A_399 = arith.constant 1 : i32
      %add3A_400 = arith.addi %add3A_392, %add3A_399 : i32
      %mul3A_401 = arith.constant 128 : i32
      %mul3A_402 = arith.muli %add3A_400, %mul3A_401 : i32
      %dma_start3A_403 = tpu.memref_slice %arg8[%mul3A_402] : memref<12800xi32, #tpu.memory_space<vmem>> -> memref<128xi32, #tpu.memory_space<vmem>>
      %dma_start3A_404 = arith.constant 0 : i32
      %dma_start3A_405 = arith.constant 0 : i32
      %dma_start3A_406 = tpu.memref_slice %arg14[%dma_start3A_404, %dma_start3A_405] : memref<2211x128xf32, #tpu.memory_space<vmem_shared>> -> memref<2211x128xf32, #tpu.memory_space<vmem_shared>>
      tpu.enqueue_indirect_dma source(%dma_start3A_406 : memref<2211x128xf32, #tpu.memory_space<vmem_shared>>) target(%arg9 : memref<128x128xf32, #tpu.memory_space<vmem>>) offsets(%dma_start3A_403 : memref<128xi32, #tpu.memory_space<vmem>>) semaphore(%arg15 : memref<!tpu.dma_semaphore, #tpu.memory_space<semaphore_mem>>)
      %mul3A_407 = arith.constant 128 : i32
      %mul3A_408 = arith.muli %add3A_392, %mul3A_407 : i32
      %dma_wait3A_409 = tpu.memref_slice %arg8[%mul3A_408] : memref<12800xi32, #tpu.memory_space<vmem>> -> memref<128xi32, #tpu.memory_space<vmem>>
      %dma_wait3A_410 = arith.constant 0 : i32
      %dma_wait3A_411 = arith.constant 0 : i32
      %dma_wait3A_412 = tpu.memref_slice %arg14[%dma_wait3A_410, %dma_wait3A_411] : memref<2211x128xf32, #tpu.memory_space<vmem_shared>> -> memref<2211x128xf32, #tpu.memory_space<vmem_shared>>
      tpu.wait_indirect_dma semaphore(%arg18 : memref<!tpu.dma_semaphore, #tpu.memory_space<semaphore_mem>>) src(%dma_wait3A_412 : memref<2211x128xf32, #tpu.memory_space<vmem_shared>>) dst(%arg12 : memref<128x128xf32, #tpu.memory_space<vmem>>)
      %mul3A_413 = arith.constant 128 : i32
      %mul3A_414 = arith.muli %add3A_392, %mul3A_413 : i32
      %add3A_415 = arith.addi %add3A_273, %mul3A_414 : i32
      %dma_start3A_416 = arith.constant 0 : i32
      %dma_start3A_417 = tpu.memref_slice %arg7[%add3A_415, %dma_start3A_416] : memref<819200x128xf32, #tpu.memory_space<hbm>> -> memref<128x128xf32, #tpu.memory_space<hbm>>
      %dma_start3A_418 = arith.constant 0 : i32
      %dma_start3A_419 = tpu.memref_slice %arg7[%add3A_415, %dma_start3A_418] : memref<819200x128xf32, #tpu.memory_space<hbm>> -> memref<128x128xf32, #tpu.memory_space<hbm>>
      tpu.enqueue_dma source(%arg12 : memref<128x128xf32, #tpu.memory_space<vmem>>) target(%dma_start3A_419 : memref<128x128xf32, #tpu.memory_space<hbm>>) target_semaphore(%arg22 : memref<!tpu.dma_semaphore, #tpu.memory_space<semaphore_mem>>)
      %add3A_420 = arith.constant 1 : i32
      %add3A_421 = arith.addi %add3A_390, %add3A_420 : i32
      %dma_wait3A_422 = arith.constant 0 : i32
      %dma_wait3A_423 = arith.constant 0 : i32
      %dma_wait3A_424 = tpu.memref_slice %arg7[%dma_wait3A_422, %dma_wait3A_423] : memref<819200x128xf32, #tpu.memory_space<hbm>> -> memref<128x128xf32, #tpu.memory_space<hbm>>
      %dma_wait3A_425 = arith.constant 0 : i32
      %dma_wait3A_426 = arith.constant 0 : i32
      %dma_wait3A_427 = tpu.memref_slice %arg7[%dma_wait3A_425, %dma_wait3A_426] : memref<819200x128xf32, #tpu.memory_space<hbm>> -> memref<128x128xf32, #tpu.memory_space<hbm>>
      tpu.wait_dma2 semaphore(%arg20 : memref<!tpu.dma_semaphore, #tpu.memory_space<semaphore_mem>>) src(%arg10 : memref<128x128xf32, #tpu.memory_space<vmem>>) dst(%dma_wait3A_427 : memref<128x128xf32, #tpu.memory_space<hbm>>)
      %add3A_428 = arith.constant 1 : i32
      %add3A_429 = arith.addi %add3A_421, %add3A_428 : i32
      %mul3A_430 = arith.constant 128 : i32
      %mul3A_431 = arith.muli %add3A_429, %mul3A_430 : i32
      %dma_start3A_432 = tpu.memref_slice %arg8[%mul3A_431] : memref<12800xi32, #tpu.memory_space<vmem>> -> memref<128xi32, #tpu.memory_space<vmem>>
      %dma_start3A_433 = arith.constant 0 : i32
      %dma_start3A_434 = arith.constant 0 : i32
      %dma_start3A_435 = tpu.memref_slice %arg14[%dma_start3A_433, %dma_start3A_434] : memref<2211x128xf32, #tpu.memory_space<vmem_shared>> -> memref<2211x128xf32, #tpu.memory_space<vmem_shared>>
      tpu.enqueue_indirect_dma source(%dma_start3A_435 : memref<2211x128xf32, #tpu.memory_space<vmem_shared>>) target(%arg10 : memref<128x128xf32, #tpu.memory_space<vmem>>) offsets(%dma_start3A_432 : memref<128xi32, #tpu.memory_space<vmem>>) semaphore(%arg16 : memref<!tpu.dma_semaphore, #tpu.memory_space<semaphore_mem>>)
      %mul3A_436 = arith.constant 128 : i32
      %mul3A_437 = arith.muli %add3A_421, %mul3A_436 : i32
      %dma_wait3A_438 = tpu.memref_slice %arg8[%mul3A_437] : memref<12800xi32, #tpu.memory_space<vmem>> -> memref<128xi32, #tpu.memory_space<vmem>>
      %dma_wait3A_439 = arith.constant 0 : i32
      %dma_wait3A_440 = arith.constant 0 : i32
      %dma_wait3A_441 = tpu.memref_slice %arg14[%dma_wait3A_439, %dma_wait3A_440] : memref<2211x128xf32, #tpu.memory_space<vmem_shared>> -> memref<2211x128xf32, #tpu.memory_space<vmem_shared>>
      tpu.wait_indirect_dma semaphore(%arg15 : memref<!tpu.dma_semaphore, #tpu.memory_space<semaphore_mem>>) src(%dma_wait3A_441 : memref<2211x128xf32, #tpu.memory_space<vmem_shared>>) dst(%arg9 : memref<128x128xf32, #tpu.memory_space<vmem>>)
      %mul3A_442 = arith.constant 128 : i32
      %mul3A_443 = arith.muli %add3A_421, %mul3A_442 : i32
      %add3A_444 = arith.addi %add3A_273, %mul3A_443 : i32
      %dma_start3A_445 = arith.constant 0 : i32
      %dma_start3A_446 = tpu.memref_slice %arg7[%add3A_444, %dma_start3A_445] : memref<819200x128xf32, #tpu.memory_space<hbm>> -> memref<128x128xf32, #tpu.memory_space<hbm>>
      %dma_start3A_447 = arith.constant 0 : i32
      %dma_start3A_448 = tpu.memref_slice %arg7[%add3A_444, %dma_start3A_447] : memref<819200x128xf32, #tpu.memory_space<hbm>> -> memref<128x128xf32, #tpu.memory_space<hbm>>
      tpu.enqueue_dma source(%arg9 : memref<128x128xf32, #tpu.memory_space<vmem>>) target(%dma_start3A_448 : memref<128x128xf32, #tpu.memory_space<hbm>>) target_semaphore(%arg19 : memref<!tpu.dma_semaphore, #tpu.memory_space<semaphore_mem>>)
      %add3A_449 = arith.constant 2 : i32
      %add3A_450 = arith.addi %add3A_390, %add3A_449 : i32
      %dma_wait3A_451 = arith.constant 0 : i32
      %dma_wait3A_452 = arith.constant 0 : i32
      %dma_wait3A_453 = tpu.memref_slice %arg7[%dma_wait3A_451, %dma_wait3A_452] : memref<819200x128xf32, #tpu.memory_space<hbm>> -> memref<128x128xf32, #tpu.memory_space<hbm>>
      %dma_wait3A_454 = arith.constant 0 : i32
      %dma_wait3A_455 = arith.constant 0 : i32
      %dma_wait3A_456 = tpu.memref_slice %arg7[%dma_wait3A_454, %dma_wait3A_455] : memref<819200x128xf32, #tpu.memory_space<hbm>> -> memref<128x128xf32, #tpu.memory_space<hbm>>
      tpu.wait_dma2 semaphore(%arg21 : memref<!tpu.dma_semaphore, #tpu.memory_space<semaphore_mem>>) src(%arg11 : memref<128x128xf32, #tpu.memory_space<vmem>>) dst(%dma_wait3A_456 : memref<128x128xf32, #tpu.memory_space<hbm>>)
      %add3A_457 = arith.constant 1 : i32
      %add3A_458 = arith.addi %add3A_450, %add3A_457 : i32
      %mul3A_459 = arith.constant 128 : i32
      %mul3A_460 = arith.muli %add3A_458, %mul3A_459 : i32
      %dma_start3A_461 = tpu.memref_slice %arg8[%mul3A_460] : memref<12800xi32, #tpu.memory_space<vmem>> -> memref<128xi32, #tpu.memory_space<vmem>>
      %dma_start3A_462 = arith.constant 0 : i32
      %dma_start3A_463 = arith.constant 0 : i32
      %dma_start3A_464 = tpu.memref_slice %arg14[%dma_start3A_462, %dma_start3A_463] : memref<2211x128xf32, #tpu.memory_space<vmem_shared>> -> memref<2211x128xf32, #tpu.memory_space<vmem_shared>>
      tpu.enqueue_indirect_dma source(%dma_start3A_464 : memref<2211x128xf32, #tpu.memory_space<vmem_shared>>) target(%arg11 : memref<128x128xf32, #tpu.memory_space<vmem>>) offsets(%dma_start3A_461 : memref<128xi32, #tpu.memory_space<vmem>>) semaphore(%arg17 : memref<!tpu.dma_semaphore, #tpu.memory_space<semaphore_mem>>)
      %mul3A_465 = arith.constant 128 : i32
      %mul3A_466 = arith.muli %add3A_450, %mul3A_465 : i32
      %dma_wait3A_467 = tpu.memref_slice %arg8[%mul3A_466] : memref<12800xi32, #tpu.memory_space<vmem>> -> memref<128xi32, #tpu.memory_space<vmem>>
      %dma_wait3A_468 = arith.constant 0 : i32
      %dma_wait3A_469 = arith.constant 0 : i32
      %dma_wait3A_470 = tpu.memref_slice %arg14[%dma_wait3A_468, %dma_wait3A_469] : memref<2211x128xf32, #tpu.memory_space<vmem_shared>> -> memref<2211x128xf32, #tpu.memory_space<vmem_shared>>
      tpu.wait_indirect_dma semaphore(%arg16 : memref<!tpu.dma_semaphore, #tpu.memory_space<semaphore_mem>>) src(%dma_wait3A_470 : memref<2211x128xf32, #tpu.memory_space<vmem_shared>>) dst(%arg10 : memref<128x128xf32, #tpu.memory_space<vmem>>)
      %mul3A_471 = arith.constant 128 : i32
      %mul3A_472 = arith.muli %add3A_450, %mul3A_471 : i32
      %add3A_473 = arith.addi %add3A_273, %mul3A_472 : i32
      %dma_start3A_474 = arith.constant 0 : i32
      %dma_start3A_475 = tpu.memref_slice %arg7[%add3A_473, %dma_start3A_474] : memref<819200x128xf32, #tpu.memory_space<hbm>> -> memref<128x128xf32, #tpu.memory_space<hbm>>
      %dma_start3A_476 = arith.constant 0 : i32
      %dma_start3A_477 = tpu.memref_slice %arg7[%add3A_473, %dma_start3A_476] : memref<819200x128xf32, #tpu.memory_space<hbm>> -> memref<128x128xf32, #tpu.memory_space<hbm>>
      tpu.enqueue_dma source(%arg10 : memref<128x128xf32, #tpu.memory_space<vmem>>) target(%dma_start3A_477 : memref<128x128xf32, #tpu.memory_space<hbm>>) target_semaphore(%arg20 : memref<!tpu.dma_semaphore, #tpu.memory_space<semaphore_mem>>)
      %add3A_478 = arith.constant 3 : i32
      %add3A_479 = arith.addi %add3A_390, %add3A_478 : i32
      %dma_wait3A_480 = arith.constant 0 : i32
      %dma_wait3A_481 = arith.constant 0 : i32
      %dma_wait3A_482 = tpu.memref_slice %arg7[%dma_wait3A_480, %dma_wait3A_481] : memref<819200x128xf32, #tpu.memory_space<hbm>> -> memref<128x128xf32, #tpu.memory_space<hbm>>
      %dma_wait3A_483 = arith.constant 0 : i32
      %dma_wait3A_484 = arith.constant 0 : i32
      %dma_wait3A_485 = tpu.memref_slice %arg7[%dma_wait3A_483, %dma_wait3A_484] : memref<819200x128xf32, #tpu.memory_space<hbm>> -> memref<128x128xf32, #tpu.memory_space<hbm>>
      tpu.wait_dma2 semaphore(%arg22 : memref<!tpu.dma_semaphore, #tpu.memory_space<semaphore_mem>>) src(%arg12 : memref<128x128xf32, #tpu.memory_space<vmem>>) dst(%dma_wait3A_485 : memref<128x128xf32, #tpu.memory_space<hbm>>)
      %add3A_486 = arith.constant 1 : i32
      %add3A_487 = arith.addi %add3A_479, %add3A_486 : i32
      %mul3A_488 = arith.constant 128 : i32
      %mul3A_489 = arith.muli %add3A_487, %mul3A_488 : i32
      %dma_start3A_490 = tpu.memref_slice %arg8[%mul3A_489] : memref<12800xi32, #tpu.memory_space<vmem>> -> memref<128xi32, #tpu.memory_space<vmem>>
      %dma_start3A_491 = arith.constant 0 : i32
      %dma_start3A_492 = arith.constant 0 : i32
      %dma_start3A_493 = tpu.memref_slice %arg14[%dma_start3A_491, %dma_start3A_492] : memref<2211x128xf32, #tpu.memory_space<vmem_shared>> -> memref<2211x128xf32, #tpu.memory_space<vmem_shared>>
      tpu.enqueue_indirect_dma source(%dma_start3A_493 : memref<2211x128xf32, #tpu.memory_space<vmem_shared>>) target(%arg12 : memref<128x128xf32, #tpu.memory_space<vmem>>) offsets(%dma_start3A_490 : memref<128xi32, #tpu.memory_space<vmem>>) semaphore(%arg18 : memref<!tpu.dma_semaphore, #tpu.memory_space<semaphore_mem>>)
      %mul3A_494 = arith.constant 128 : i32
      %mul3A_495 = arith.muli %add3A_479, %mul3A_494 : i32
      %dma_wait3A_496 = tpu.memref_slice %arg8[%mul3A_495] : memref<12800xi32, #tpu.memory_space<vmem>> -> memref<128xi32, #tpu.memory_space<vmem>>
      %dma_wait3A_497 = arith.constant 0 : i32
      %dma_wait3A_498 = arith.constant 0 : i32
      %dma_wait3A_499 = tpu.memref_slice %arg14[%dma_wait3A_497, %dma_wait3A_498] : memref<2211x128xf32, #tpu.memory_space<vmem_shared>> -> memref<2211x128xf32, #tpu.memory_space<vmem_shared>>
      tpu.wait_indirect_dma semaphore(%arg17 : memref<!tpu.dma_semaphore, #tpu.memory_space<semaphore_mem>>) src(%dma_wait3A_499 : memref<2211x128xf32, #tpu.memory_space<vmem_shared>>) dst(%arg11 : memref<128x128xf32, #tpu.memory_space<vmem>>)
      %mul3A_500 = arith.constant 128 : i32
      %mul3A_501 = arith.muli %add3A_479, %mul3A_500 : i32
      %add3A_502 = arith.addi %add3A_273, %mul3A_501 : i32
      %dma_start3A_503 = arith.constant 0 : i32
      %dma_start3A_504 = tpu.memref_slice %arg7[%add3A_502, %dma_start3A_503] : memref<819200x128xf32, #tpu.memory_space<hbm>> -> memref<128x128xf32, #tpu.memory_space<hbm>>
      %dma_start3A_505 = arith.constant 0 : i32
      %dma_start3A_506 = tpu.memref_slice %arg7[%add3A_502, %dma_start3A_505] : memref<819200x128xf32, #tpu.memory_space<hbm>> -> memref<128x128xf32, #tpu.memory_space<hbm>>
      tpu.enqueue_dma source(%arg11 : memref<128x128xf32, #tpu.memory_space<vmem>>) target(%dma_start3A_506 : memref<128x128xf32, #tpu.memory_space<hbm>>) target_semaphore(%arg21 : memref<!tpu.dma_semaphore, #tpu.memory_space<semaphore_mem>>)
    }
    %scan3A_350 = arith.constant 24 : i32
    %dma_wait3A_351 = arith.constant 0 : i32
    %dma_wait3A_352 = arith.constant 0 : i32
    %dma_wait3A_353 = tpu.memref_slice %arg7[%dma_wait3A_351, %dma_wait3A_352] : memref<819200x128xf32, #tpu.memory_space<hbm>> -> memref<128x128xf32, #tpu.memory_space<hbm>>
    %dma_wait3A_354 = arith.constant 0 : i32
    %dma_wait3A_355 = arith.constant 0 : i32
    %dma_wait3A_356 = tpu.memref_slice %arg7[%dma_wait3A_354, %dma_wait3A_355] : memref<819200x128xf32, #tpu.memory_space<hbm>> -> memref<128x128xf32, #tpu.memory_space<hbm>>
    tpu.wait_dma2 semaphore(%arg19 : memref<!tpu.dma_semaphore, #tpu.memory_space<semaphore_mem>>) src(%arg9 : memref<128x128xf32, #tpu.memory_space<vmem>>) dst(%dma_wait3A_356 : memref<128x128xf32, #tpu.memory_space<hbm>>)
    %dma_wait3A_357 = arith.constant 12672 : i32
    %dma_wait3A_358 = tpu.memref_slice %arg8[%dma_wait3A_357] : memref<12800xi32, #tpu.memory_space<vmem>> -> memref<128xi32, #tpu.memory_space<vmem>>
    %dma_wait3A_359 = arith.constant 0 : i32
    %dma_wait3A_360 = arith.constant 0 : i32
    %dma_wait3A_361 = tpu.memref_slice %arg14[%dma_wait3A_359, %dma_wait3A_360] : memref<2211x128xf32, #tpu.memory_space<vmem_shared>> -> memref<2211x128xf32, #tpu.memory_space<vmem_shared>>
    tpu.wait_indirect_dma semaphore(%arg18 : memref<!tpu.dma_semaphore, #tpu.memory_space<semaphore_mem>>) src(%dma_wait3A_361 : memref<2211x128xf32, #tpu.memory_space<vmem_shared>>) dst(%arg12 : memref<128x128xf32, #tpu.memory_space<vmem>>)
    %add3A_362 = arith.constant 12672 : i32
    %add3A_363 = arith.addi %add3A_273, %add3A_362 : i32
    %dma_start3A_364 = arith.constant 0 : i32
    %dma_start3A_365 = tpu.memref_slice %arg7[%add3A_363, %dma_start3A_364] : memref<819200x128xf32, #tpu.memory_space<hbm>> -> memref<128x128xf32, #tpu.memory_space<hbm>>
    %dma_start3A_366 = arith.constant 0 : i32
    %dma_start3A_367 = tpu.memref_slice %arg7[%add3A_363, %dma_start3A_366] : memref<819200x128xf32, #tpu.memory_space<hbm>> -> memref<128x128xf32, #tpu.memory_space<hbm>>
    tpu.enqueue_dma source(%arg12 : memref<128x128xf32, #tpu.memory_space<vmem>>) target(%dma_start3A_367 : memref<128x128xf32, #tpu.memory_space<hbm>>) target_semaphore(%arg22 : memref<!tpu.dma_semaphore, #tpu.memory_space<semaphore_mem>>)
    %dma_wait3A_368 = arith.constant 0 : i32
    %dma_wait3A_369 = arith.constant 0 : i32
    %dma_wait3A_370 = tpu.memref_slice %arg7[%dma_wait3A_368, %dma_wait3A_369] : memref<819200x128xf32, #tpu.memory_space<hbm>> -> memref<128x128xf32, #tpu.memory_space<hbm>>
    %dma_wait3A_371 = arith.constant 0 : i32
    %dma_wait3A_372 = arith.constant 0 : i32
    %dma_wait3A_373 = tpu.memref_slice %arg7[%dma_wait3A_371, %dma_wait3A_372] : memref<819200x128xf32, #tpu.memory_space<hbm>> -> memref<128x128xf32, #tpu.memory_space<hbm>>
    tpu.wait_dma2 semaphore(%arg20 : memref<!tpu.dma_semaphore, #tpu.memory_space<semaphore_mem>>) src(%arg10 : memref<128x128xf32, #tpu.memory_space<vmem>>) dst(%dma_wait3A_373 : memref<128x128xf32, #tpu.memory_space<hbm>>)
    %dma_wait3A_374 = arith.constant 0 : i32
    %dma_wait3A_375 = arith.constant 0 : i32
    %dma_wait3A_376 = tpu.memref_slice %arg7[%dma_wait3A_374, %dma_wait3A_375] : memref<819200x128xf32, #tpu.memory_space<hbm>> -> memref<128x128xf32, #tpu.memory_space<hbm>>
    %dma_wait3A_377 = arith.constant 0 : i32
    %dma_wait3A_378 = arith.constant 0 : i32
    %dma_wait3A_379 = tpu.memref_slice %arg7[%dma_wait3A_377, %dma_wait3A_378] : memref<819200x128xf32, #tpu.memory_space<hbm>> -> memref<128x128xf32, #tpu.memory_space<hbm>>
    tpu.wait_dma2 semaphore(%arg21 : memref<!tpu.dma_semaphore, #tpu.memory_space<semaphore_mem>>) src(%arg11 : memref<128x128xf32, #tpu.memory_space<vmem>>) dst(%dma_wait3A_379 : memref<128x128xf32, #tpu.memory_space<hbm>>)
    %dma_wait3A_380 = arith.constant 0 : i32
    %dma_wait3A_381 = arith.constant 0 : i32
    %dma_wait3A_382 = tpu.memref_slice %arg7[%dma_wait3A_380, %dma_wait3A_381] : memref<819200x128xf32, #tpu.memory_space<hbm>> -> memref<128x128xf32, #tpu.memory_space<hbm>>
    %dma_wait3A_383 = arith.constant 0 : i32
    %dma_wait3A_384 = arith.constant 0 : i32
    %dma_wait3A_385 = tpu.memref_slice %arg7[%dma_wait3A_383, %dma_wait3A_384] : memref<819200x128xf32, #tpu.memory_space<hbm>> -> memref<128x128xf32, #tpu.memory_space<hbm>>
    tpu.wait_dma2 semaphore(%arg22 : memref<!tpu.dma_semaphore, #tpu.memory_space<semaphore_mem>>) src(%arg12 : memref<128x128xf32, #tpu.memory_space<vmem>>) dst(%dma_wait3A_385 : memref<128x128xf32, #tpu.memory_space<hbm>>)
    return
  }
}

</mosaic_0001>

<sc_bundles>
// kernel: _embed.3.cloned.1.call-start
scs
__scs_entry_jumppad:
0x0: {  	(pc) =	sbr.rel $0x88, $3  }
0x1: {  	(tag) =	ssettag $0x0;
	lr =	simm.s32 $0x1  }
0x2: {  	[smem:$0x3F9D] =	sst lr;
	_ =	strace $0xD0000000  }
0x3: {  	_ = 	snop  }
0x4: {  	_ = 	snop  }
0x5: {  	_ = 	snop  }
0x6: {  	_ = 	snop  }
0x7: {  	_ = 	snop  }
__scs_overlays_trampoline_lowered:
0x8: {  	[smem:$0x3FAC] =	sst s0  }
0x9: {  	[smem:$0x3FAD] =	sst s1  }
0xa: {  	[smem:$0x3FAE] =	sst s2  }
0xb: {  	[smem:$0x3FAF] =	sst s3  }
0xc: {  	[smem:$0x3FB0] =	sst s4  }
0xd: {  	[smem:$0x3FB1] =	sst s5  }
0xe: {  	[smem:$0x3FB2] =	sst s6  }
0xf: {  	[smem:$0x3FB3] =	sst s7  }
0x10: {  	[smem:$0x3FB4] =	sst s8  }
0x11: {  	[smem:$0x3FB5] =	sst s9;
	s0 =	simm.s32 @!p0 $0x0  }
0x12: {  	s1 =	sld [smem:$0x3F9B];
	s0 =	simm.s32 @p0 $0x1  }
0x13: {  	[smem:$0x3FB6] =	sst s0;
	s0 =	simm.s32 @!p1 $0x0  }
0x14: {  	s2 =	sld [smem:$0x3F9A];
	s0 =	simm.s32 @p1 $0x1  }
0x15: {  	[smem:$0x3FB7] =	sst s0;
	s0 =	simm.s32 @!p2 $0x0  }
0x16: {  	s3 =	sld [smem:$0x3FDB];
	s0 =	simm.s32 @p2 $0x1  }
0x17: {  	s4 =	simm.s32 $0x1BF5;
	[smem:$0x3FB9] =	sst s0  }
0x18: {  	s0 =	sld [smem:$0x3F9C];
	_ =	swait.ge [sflag:s4], $0x0  }
0x19: {  	s7 =	sld [smem:$0x3F9D]  }
0x1a: {  	s8 =	sadd.s32 $0xFFFFE003, lr  }
0x1b: {  	s9 =	sadd.s32 $0xFFFFFEF7, lr;
	s5 =	simm.s32 $0xFFFFFFFF;
	p2 =	slt.u32 s8, $0xFFFFF086  }
0x1c: {  	p1 =	slt.u32 s9, $0xF7A;
	s5 =	simm.s32 @!p2 $0x0  }
0x1d: {  	s5 =	simm.s32 @p1 $0x1;
	p0 =	seq.s32 s7, s2  }
0x1e: {  	s7 =	smul.u32 @!p0 $0xF7A, s2;
	p2 =	seq.s32 @!p0 s5, $0x0  }
0x1f: {  	s9 =	smul.u32 $0xF7A, s1;
	s8 =	simm.s32 @!p0 $0x1BF5;
	p2 =	por !p2, p0  }
0x20: {  	[sflag:s8] =	ssyncset.s32 @!p0 $0xFFFFF086;
	s6 =	sadd.s32 @!p0 s3, s7;
	s7 =	simm.s32 @!p0 $0x108  }
0x21: {  	s3 =	sadd.s32 s3, s9;
	s6 =	sadd.s32 @!p0 $0x88, s6;
	s7 =	simm.s32 @p2 $0x1082  }
0x22: {  	[simem:s7], [sflag:s8] =	dma.local @!p0 [hbm:s6], $0xF7A  }
0x23: {  	s9 =	sor.u32 $0xD0000000, s2;
	s6 =	simm.s32 $0x108;
	_ =	swait.ge @!p0 [sflag:s8], $0x0  }
0x24: {  	s3 =	sadd.s32 $0x88, s3;
	s6 =	simm.s32 @!p1 $0x1082;
	[sflag:s4] =	ssyncset.s32 $0xFFFFF086  }
0x25: {  	[simem:s6], [sflag:s4] =	dma.local [hbm:s3], $0xF7A  }
0x26: {  	[smem:$0x3F9D] =	sst s1;
	(tag) =	ssettag s2;
	_ =	strace s9  }
0x27: {  	s1 =	sld [smem:$0x3FAD]  }
0x28: {  	s2 =	sld [smem:$0x3FAE]  }
0x29: {  	s4 =	sld [smem:$0x3FB0]  }
0x2a: {  	p0 =	seq.s32 s5, $0x0;
	s5 =	sld [smem:$0x3FB1]  }
0x2b: {  	s6 =	sld [smem:$0x3FB2]  }
0x2c: {  	s7 =	sld [smem:$0x3FB3]  }
0x2d: {  	s3 =	simm.s32 $0x108;
	s8 =	sld [smem:$0x3FB4]  }
0x2e: {  	s3 =	simm.s32 @!p0 $0x1082;
	s9 =	sld [smem:$0x3FB5]  }
0x2f: {  	lr =	sadd.s32 s0, s3;
	s0 =	sld [smem:$0x3FAC]  }
0x30: {  	s3 =	sld [smem:$0x3FAF]  }
0x31: {  	[smem:$0x3FB8] =	sst s10  }
0x32: {  	s10 =	sld [smem:$0x3FB6];
	_ =	sdelay $0x3  }
0x33: {  	p0 =	seq.s32 s10, $0x1;
	s10 =	sld [smem:$0x3FB8];
	_ =	sdelay $0x3  }
0x34: {  	[smem:$0x3FB8] =	sst s10  }
0x35: {  	s10 =	sld [smem:$0x3FB7];
	_ =	sdelay $0x3  }
0x36: {  	p1 =	seq.s32 s10, $0x1;
	s10 =	sld [smem:$0x3FB8];
	_ =	sdelay $0x3  }
0x37: {  	[smem:$0x3FB8] =	sst s10  }
0x38: {  	s10 =	sld [smem:$0x3FB9]  }
0x39: {  	_ = 	snop;
	(pc) =	sbr.ind lr, $3  }
0x3a: {  	_ = 	snop  }
0x3b: {  	_ = 	snop  }
0x3c: {  	p2 =	seq.s32 s10, $0x1;
	s10 =	sld [smem:$0x3FB8]  }
0x3d: {  	_ =	shalt  }
0x3e: {  	_ =	shalt  }
0x3f: {  	_ =	shalt  }
0x40: {  	_ =	shalt  }
0x41: {  	_ =	shalt  }
0x42: {  	_ =	shalt  }
0x43: {  	_ =	shalt  }
0x44: {  	_ =	shalt  }
0x45: {  	_ =	shalt  }
0x46: {  	_ =	shalt  }
0x47: {  	_ =	shalt  }
0x48: {  	_ =	shalt  }
0x49: {  	_ =	shalt  }
0x4a: {  	_ =	shalt  }
0x4b: {  	_ =	shalt  }
0x4c: {  	_ =	shalt  }
0x4d: {  	_ =	shalt  }
0x4e: {  	_ =	shalt  }
0x4f: {  	_ =	shalt  }
0x50: {  	_ =	shalt  }
0x51: {  	_ =	shalt  }
0x52: {  	_ =	shalt  }
0x53: {  	_ =	shalt  }
0x54: {  	_ =	shalt  }
0x55: {  	_ =	shalt  }
0x56: {  	_ =	shalt  }
0x57: {  	_ =	shalt  }
0x58: {  	_ =	shalt  }
0x59: {  	_ =	shalt  }
0x5a: {  	_ =	shalt  }
0x5b: {  	_ =	shalt  }
0x5c: {  	_ =	shalt  }
0x5d: {  	_ =	shalt  }
0x5e: {  	_ =	shalt  }
0x5f: {  	_ =	shalt  }
0x60: {  	_ =	shalt  }
0x61: {  	_ =	shalt  }
0x62: {  	_ =	shalt  }
0x63: {  	_ =	shalt  }
0x64: {  	_ =	shalt  }
0x65: {  	_ =	shalt  }
0x66: {  	_ =	shalt  }
0x67: {  	_ =	shalt  }
0x68: {  	_ =	shalt  }
0x69: {  	_ =	shalt  }
0x6a: {  	_ =	shalt  }
0x6b: {  	_ =	shalt  }
0x6c: {  	_ =	shalt  }
0x6d: {  	_ =	shalt  }
0x6e: {  	_ =	shalt  }
0x6f: {  	_ =	shalt  }
0x70: {  	_ =	shalt  }
0x71: {  	_ =	shalt  }
0x72: {  	_ =	shalt  }
0x73: {  	_ =	shalt  }
0x74: {  	_ =	shalt  }
0x75: {  	_ =	shalt  }
0x76: {  	_ =	shalt  }
0x77: {  	_ =	shalt  }
0x78: {  	_ =	shalt  }
0x79: {  	_ =	shalt  }
0x7a: {  	_ =	shalt  }
0x7b: {  	_ =	shalt  }
0x7c: {  	_ =	shalt  }
0x7d: {  	_ =	shalt  }
0x7e: {  	_ =	shalt  }
0x7f: {  	_ =	shalt  }
0x80: {  	_ =	shalt  }
0x81: {  	_ =	shalt  }
0x82: {  	_ =	shalt  }
0x83: {  	_ =	shalt  }
0x84: {  	_ =	shalt  }
0x85: {  	_ =	shalt  }
0x86: {  	_ =	shalt  }
0x87: {  	_ =	shalt  }
.Lfunc_end0:
.L_simem_size_0:
called_computation_lowered:
.L_overlay_start_0:
0x88: {  	s2 =	sld [smem:$0x3FD9]  }
0x89: {  	s3 =	sld [smem:$0x3FFE];
	_ =	sdelay $0x1  }
0x8a: {  	s1 =	srdreg.scid  }
0x8b: {  	s0 =	sand.u32 $0x1, s1  }
0x8c: {  	s15 =	sshll.u32 s0, $0xA;
	s2 =	sadd.s32 s3, s2  }
0x8d: {  	s2 =	sadd.s32 s2, s15  }
0x8e: {  	[smem:$0x3FC4] =	sst s2  }
0x8f: {  	_ = 	snop  }
0x90: {  	s2 =	sld [smem:$0x3FC9]  }
0x91: {  	s16 =	sld [smem:$0x3FD0]  }
0x92: {  	s4 =	sld [smem:$0x3FC8]  }
0x93: {  	s5 =	sld [smem:$0x3FC7]  }
0x94: {  	s7 =	simm.s32 $0xA;
	s8 =	simm.s32 $0x10;
	s6 =	sld [smem:$0x3FC6]  }
0x95: {  	[smem:s8], [sflag:s7] =	dma.local [hbm:s16], $0x1  }
0x96: {  	_ =	swait.eq [sflag:s7], $0x1  }
0x97: {  	[sflag:s7] =	ssyncset.done $0x0  }
0x98: {  	s17 =	sld [smem:$0x10];
	[sflag:s7] =	ssyncadd.s32 $0xFFFFFFFF  }
0x99: {  	s18 =	sld [smem:$0x11];
	(tm) =	ssettm $0x1  }
0x9a: {  	s19 =	sld [smem:$0x3FFB];
	_ =	sdelay $0x3  }
0x9b: {  	_ =	strace s19  }
0x9c: {  	s8 =	sld [smem:$0x3FFC];
	_ =	sdelay $0x3  }
0x9d: {  	_ =	strace s8  }
0x9e: {  	s8 =	sld [smem:$0x3FFD];
	_ =	sdelay $0x3  }
0x9f: {  	_ =	strace s8  }
0xa0: {  	_ =	strace $0x8FFFFFFF  }
0xa1: {  	s20 =	sld [smem:$0x3FDB];
	_ =	sdelay $0x1  }
0xa2: {  	s9 =	simm.s32 $_scs_section_size  }
0xa3: {  	s10 =	simm.s32 $_size__tile_overlayer_lowered;
	s11 =	simm.s32 $_tile_overlayer_lowered  }
0xa4: {  	s23 =	simm.s32 $0x1BFF;
	s22 =	sshll.u32 s11, $0x1;
	s8 =	sadd.s32 s9, s20  }
0xa5: {  	s12 =	simm.s32 $0x0;
	s21 =	sshll.u32 s10, $0x1;
	s10 =	sadd.s32 s22, s8  }
0xa6: {  	[timem:s12], [sflag:s23] =	dma.local [hbm:s10], s21  }
0xa7: {  	_ =	swait.ge [sflag:s23], s21  }
0xa8: {  	s9 =	ssub.s32 $0x0, s21;
	[sflag:s23] =	ssyncset.done $0x0  }
0xa9: {  	[sflag:s23] =	ssyncadd.s32 s9;
	_ =	sdelay $0x1  }
0xaa: {  	s24 =	simm.s32 $0x1B8B  }
0xab: {  	_ =	swait.ge [sflag:s24], $0x1  }
0xac: {  	[sflag:s24] =	ssyncset.done $0x0  }
0xad: {  	s25 =	simm.s32 $0x1B8E;
	[sflag:s24] =	ssyncadd.s32 $0xFFFFFFFF  }
0xae: {  	s26 =	simm.s32 $execute0_lowered;
	[smem:$0x3FD2] =	sst s25  }
0xaf: {  	s9 =	sshll.u32 s26, $0x1;
	_ =	strace $0x80000046;
	[dreg:$0x1] =	wrdreg $0xFFFFFFFF  }
0xb0: {  	s28 =	simm.s32 $_size_execute0_lowered;
	s8 =	sadd.s32 s8, s9;
	[dreg:$0x0] =	wrdreg $0x0  }
0xb1: {  	s9 =	sshll.u32 s28, $0x1;
	[dreg:$0x2] =	wrdreg s8  }
0xb2: {  	[dreg:$0x3] =	wrdreg s9  }
0xb3: {  	[dreg:$0x4] =	wrdreg $0xC0  }
0xb4: {  	_ =	task [dreg:s12], $0x5FFFF  }
0xb5: {  	[dreg:$0x1] =	wrdreg $0xFFFFFFFF  }
0xb6: {  	[dreg:$0x0] =	wrdreg $0x60  }
0xb7: {  	[dreg:$0x2] =	wrdreg s2  }
0xb8: {  	[dreg:$0x3] =	wrdreg s4  }
0xb9: {  	[dreg:$0x4] =	wrdreg s5  }
0xba: {  	[dreg:$0x5] =	wrdreg s6  }
0xbb: {  	[dreg:$0x6] =	wrdreg s17  }
0xbc: {  	[dreg:$0x7] =	wrdreg s18  }
0xbd: {  	[dreg:$0x8] =	wrdreg $0x132000  }
0xbe: {  	[dreg:$0x9] =	wrdreg $0x197900  }
0xbf: {  	[dreg:$0xa] =	wrdreg $0x9  }
0xc0: {  	_ =	task.clear_ibuf [dreg:s12], $0xBFFFF;
	_ =	strace $0x90000046  }
0xc1: {  	s29 =	simm.s32 $0x9;
	_ =	strace $0x80000048  }
0xc2: {  	_ =	swait.ge [sflag:s29], $0x1  }
0xc3: {  	[sflag:s29] =	ssyncadd.s32 $0xFFFFFFFF  }
0xc4: {  	_ =	strace $0x90000048  }
0xc5: {  	_ =	sfence  }
0xc6: {  	s30 =	sld [smem:$0x0];
	_ =	sdelay $0x2  }
0xc7: {  	s31 =	sshll.u32 s1, $0xD;
	s1 =	sshrl.u32 s1, $0x2  }
0xc8: {  	s3 =	sand.u32 $0x4000, s31;
	s1 =	sadd.s32 s1, s30  }
0xc9: {  	s0 =	sor.u32 s3, s0;
	s1 =	sshll.u32 s1, $0x11  }
0xca: {  	s0 =	sor.u32 s1, s0  }
0xcb: {  	s0 =	sadd.s32 $0x8F2B, s0  }
0xcc: {  	[sflag:s0] =	ssyncadd.remote.s32 $0x1  }
0xcd: {  	_ =	sfence.sel $0xFFFF  }
0xce: {  	[dreg:$0x0] =	wrdreg $0xFFFFFFFF;
	(pc) =	sbr.abs _section_cstart, $3  }
0xcf: {  	[dreg:$0x1] =	wrdreg $0xFFFFFFFF  }
0xd0: {  	_ =	task.clear_ibuf [dreg:s12], $0x2FFFF;
	_ =	strace $0x9FFFFFFF  }
0xd1: {  	(tm) =	ssettm $0x7FFFFFFF  }
tec
execute0_lowered:
.L_overlay_start_1:
0x0: {  	(tag) =	ssettag $0x1  }
0x1: {  	s0 =	rddreg [dreg:$0x0]  }
0x2: {  	s1 =	srdreg.scid;
	s3 =	stileid.u32  }
0x3: {  	s2 =	rddreg [dreg:$0x1];
	s4 =	sand.u32 $0x1, s1;
	s17 =	sshll.u32 s3, $0x1  }
0x4: {  	s5 =	rddreg [dreg:$0x4];
	s6 =	sor.u32 s4, s17  }
0x5: {  	s7 =	rddreg [dreg:$0x5];
	s1 =	simm.s32 $0x0;
	s8 =	smul.u32 $0x6400, s6  }
0x6: {  	p0 =	sne.s32 s3, $0x0;
	s9 =	ssub.s32 $0x2, s4;
	s10 =	smul.u32 $0x64000, s6  }
0x7: {  	[smem:$0x7FF] =	sst s1;
	s11 =	sshrl.u32 s9, $0x1;
	s6 =	smul.u32 $0x320000, s6  }
0x8: {  	s9 =	ssub.s32 s9, s11;
	s11 =	simm.s32 $0x4;
	s12 =	sshrl.u32 s8, $0x3  }
0x9: {  	s19 =	sadd.s32 s5, s10;
	s20 =	sor.u32 $0x800, s10;
	s6 =	sshrl.u32 s6, $0x3  }
0xa: {  	s21 =	sor.u32 $0x1000, s10;
	s10 =	sadd.s32 s7, s10;
	[dreg:$0xa] =	wrdreg s19  }
0xb: {  	s8 =	sadd.s32 $0x3200, s8;
	s18 =	sadd.s32 s0, s12;
	[dreg:$0xf] =	wrdreg s10  }
0xc: {  	s13 =	sadd.s32 s5, s20;
	s14 =	sadd.s32 $0x31800, s6;
	[dreg:$0x9] =	wrdreg s18  }
0xd: {  	s15 =	sadd.s32 s5, s21;
	s12 =	sadd.s32 s2, s12;
	[dreg:$0xb] =	wrdreg s13  }
0xe: {  	s23 =	sadd.s32 s7, s20;
	s24 =	sadd.s32 s7, s21;
	[dreg:$0xc] =	wrdreg s15  }
0xf: {  	s26 =	sshrl.u32 s8, $0x3;
	s8 =	sshll.u32 s8, $0x4;
	[dreg:$0xe] =	wrdreg s12  }
0x10: {  	s17 =	sadd.s32 $0x63800, s6;
	s20 =	smul.u32 $0xC8000, s3;
	[dreg:$0x10] =	wrdreg s23  }
0x11: {  	s3 =	simm.s32 $0x1;
	s10 =	simm.s32 $0x5;
	[dreg:$0x11] =	wrdreg s24  }
0x12: {  	s22 =	sadd.s32 s5, s14;
	s25 =	sadd.s32 s7, s14;
	s23 =	rddreg [dreg:$0x6]  }
0x13: {  	s0 =	sadd.s32 s0, s26;
	s12 =	sadd.s32 $0x32800, s6;
	[dreg:$0xd] =	wrdreg s22  }
0x14: {  	s13 =	sadd.s32 s5, s8;
	s15 =	sadd.s32 $0x33000, s6;
	[dreg:$0x12] =	wrdreg s25  }
0x15: {  	s2 =	sadd.s32 s2, s26;
	s21 =	sadd.s32 s5, s17;
	[dreg:$0x13] =	wrdreg s0  }
0x16: {  	s24 =	smul.u32 $0x64000, s4;
	s6 =	simm.s32 $0x2;
	[dreg:$0x14] =	wrdreg s13  }
0x17: {  	s14 =	sadd.s32 s5, s12;
	[dreg:$0x16] =	wrdreg s2;
	s16 =	sadd.s32 s5, s15  }
0x18: {  	s0 =	sadd.s32 s7, s8;
	s18 =	sadd.s32 s7, s12;
	s25 =	rddreg [dreg:$0x7]  }
0x19: {  	s19 =	sadd.s32 s7, s15;
	s22 =	sadd.s32 s7, s17;
	[dreg:$0x15] =	wrdreg s14  }
0x1a: {  	s26 =	sadd.s32 s20, s5;
	s2 =	simm.s32 $0x7200;
	[dreg:$0x17] =	wrdreg s16  }
0x1b: {  	s5 =	simm.s32 $0xB200;
	s8 =	simm.s32 $0xF200;
	[dreg:$0x18] =	wrdreg s0  }
0x1c: {  	s12 =	simm.s32 $0x6;
	s13 =	simm.s32 $0x7;
	[dreg:$0x19] =	wrdreg s18  }
0x1d: {  	s15 =	simm.s32 $0x0;
	[dreg:$0x1a] =	wrdreg s19;
	s0 =	sadd.s32 s20, s7  }
0x1e: {  	s4 =	sadd.s32 s24, s26;
	s26 =	smax.u32 s9, $0x1;
	s20 =	simm.s32 $0x3200  }
0x1f: {  	s7 =	simm.s32 $0x180;
	s9 =	simm.s32 $0x3;
	s14 =	simm.s32 $0x8  }
0x20: {  	s0 =	sadd.s32 s24, s0;
	_ =	strace $0x80000047;
	s28 =	sadd.s32 $0x1800, s4  }
0x21: {  	s29 =	sadd.s32 $0x33800, s4;
	s24 =	simm.s32 $0x9;
	s4 =	simm.s32 $0x100  }
0x22: {  	s30 =	sadd.s32 $0x1800, s0;
	s31 =	sadd.s32 $0x33800, s0;
	s0 =	simm.s32 $0x80  }
.LBB2_1:
0x23: {  	s16 =	sshrl.u32 @!p0 s23, $0x3;
	s17 =	simm.s32 @!p0 $0x1C09;
	s18 =	rddreg [dreg:$0x2]  }
0x24: {  	[spmem:s16], [sflag:s17] =	dma.local @!p0 [hbm:s18], $0xCB20  }
0x25: {  	s16 =	simm.s32 @!p0 $0x9  }
0x26: {  	_ =	swait.ge @!p0 [sflag:s16], $0xCB20  }
0x27: {  	[sflag:s16] =	ssyncset.done @!p0 $0x0  }
0x28: {  	[sflag:s16] =	ssyncadd.s32 @!p0 $0xFFFF34E0  }
0x29: {  	s18 =	sshrl.u32 @!p0 s25, $0x3;
	s19 =	rddreg [dreg:$0x3]  }
0x2a: {  	[spmem:s18], [sflag:s17] =	dma.local @!p0 [hbm:s19], $0x8A30  }
0x2b: {  	_ =	swait.ge @!p0 [sflag:s16], $0x8A30  }
0x2c: {  	[sflag:s16] =	ssyncset.done @!p0 $0x0  }
0x2d: {  	[sflag:s16] =	ssyncadd.s32 @!p0 $0xFFFF75D0  }
0x2e: {  	[bflag:$0x0] =	sbarrier.arrive $0xFFFF  }
0x2f: {  	s19 =	rddreg [dreg:$0x9]  }
0x30: {  	[tilespmem:s1], [sflag:$0x9] =	stream.linear.gather [hbm4b:s19+s1], $0x3200, $0x38;
	[tilespmem:$0x1DCA8] =	vst v63  }
0x31: {  	_ =	swait.ge [sflag:s24], $0x3200  }
0x32: {  	[sflag:s24] =	ssyncset.done $0x0  }
0x33: {  	[sflag:s24] =	ssyncadd.s32 $0xFFFFCE00  }
0x34: {  	[tilespmem:s20], [sflag:$0x1] =	stream.indirect.gather [spmem:s23], $0x80, s1, s0, $0xb8;
	[tilespmem:$0x1DCA8] =	vst v63  }
0x35: {  	_ = 	snop  }
0x36: {  	[tilespmem:s2], [sflag:$0x2] =	stream.indirect.gather [spmem:s23], $0x80, s0, s0, $0xb8;
	[tilespmem:$0x1DCA8] =	vst v63  }
0x37: {  	_ =	swait.ge [sflag:s3], $0x4000  }
0x38: {  	[sflag:s3] =	ssyncset.done $0x0  }
0x39: {  	s17 =	rddreg [dreg:$0xa];
	[sflag:s3] =	ssyncadd.s32 $0xFFFFC000  }
0x3a: {  	[hbm4b:s17+s1] =	stream.linear.scatter [tilespmem:s20], [sflag:$0x5], $0x4000, $0x38;
	[tilespmem:$0x1DCA8] =	vst v63  }
0x3b: {  	_ = 	snop  }
0x3c: {  	[tilespmem:s5], [sflag:$0x3] =	stream.indirect.gather [spmem:s23], $0x80, s4, s0, $0xb8;
	[tilespmem:$0x1DCA8] =	vst v63  }
0x3d: {  	_ =	swait.ge [sflag:s6], $0x4000  }
0x3e: {  	[sflag:s6] =	ssyncset.done $0x0  }
0x3f: {  	s18 =	rddreg [dreg:$0xb];
	[sflag:s6] =	ssyncadd.s32 $0xFFFFC000  }
0x40: {  	[hbm4b:s18+s1] =	stream.linear.scatter [tilespmem:s2], [sflag:$0x6], $0x4000, $0x38;
	[tilespmem:$0x1DCA8] =	vst v63  }
0x41: {  	_ = 	snop  }
0x42: {  	[tilespmem:s8], [sflag:$0x4] =	stream.indirect.gather [spmem:s23], $0x80, s7, s0, $0xb8;
	[tilespmem:$0x1DCA8] =	vst v63  }
0x43: {  	_ =	swait.ge [sflag:s9], $0x4000  }
0x44: {  	[sflag:s9] =	ssyncset.done $0x0  }
0x45: {  	s19 =	rddreg [dreg:$0xc];
	[sflag:s9] =	ssyncadd.s32 $0xFFFFC000  }
0x46: {  	[hbm4b:s19+s1] =	stream.linear.scatter [tilespmem:s5], [sflag:$0x7], $0x4000, $0x38;
	[tilespmem:$0x1DCA8] =	vst v63  }
0x47: {  	_ =	swait.ge [sflag:s10], $0x4000  }
0x48: {  	[sflag:s10] =	ssyncset.done $0x0  }
0x49: {  	s17 =	simm.s32 $0x200;
	[sflag:s10] =	ssyncadd.s32 $0xFFFFC000  }
0x4a: {  	[tilespmem:s20], [sflag:$0x1] =	stream.indirect.gather [spmem:s23], $0x80, s17, s0, $0xb8;
	[tilespmem:$0x1DCA8] =	vst v63  }
0x4b: {  	_ =	swait.ge [sflag:s11], $0x4000  }
0x4c: {  	[sflag:s11] =	ssyncset.done $0x0  }
0x4d: {  	[sflag:s11] =	ssyncadd.s32 $0xFFFFC000  }
0x4e: {  	[hbm4b:s28+s1] =	stream.linear.scatter [tilespmem:s8], [sflag:$0x8], $0x4000, $0x38;
	[tilespmem:$0x1DCA8] =	vst v63  }
0x4f: {  	_ =	swait.ge [sflag:s12], $0x4000  }
0x50: {  	[sflag:s12] =	ssyncset.done $0x0  }
0x51: {  	s18 =	simm.s32 $0x280;
	[sflag:s12] =	ssyncadd.s32 $0xFFFFC000  }
0x52: {  	[tilespmem:s2], [sflag:$0x2] =	stream.indirect.gather [spmem:s23], $0x80, s18, s0, $0xb8;
	[tilespmem:$0x1DCA8] =	vst v63  }
0x53: {  	_ =	swait.ge [sflag:s3], $0x4000  }
0x54: {  	[sflag:s3] =	ssyncset.done $0x0  }
0x55: {  	s19 =	sadd.s32 $0x800, s28;
	[sflag:s3] =	ssyncadd.s32 $0xFFFFC000  }
0x56: {  	[hbm4b:s19+s1] =	stream.linear.scatter [tilespmem:s20], [sflag:$0x5], $0x4000, $0x38;
	[tilespmem:$0x1DCA8] =	vst v63  }
0x57: {  	_ =	swait.ge [sflag:s13], $0x4000  }
0x58: {  	[sflag:s13] =	ssyncset.done $0x0  }
0x59: {  	s17 =	simm.s32 $0x300;
	[sflag:s13] =	ssyncadd.s32 $0xFFFFC000  }
0x5a: {  	[tilespmem:s5], [sflag:$0x3] =	stream.indirect.gather [spmem:s23], $0x80, s17, s0, $0xb8;
	[tilespmem:$0x1DCA8] =	vst v63  }
0x5b: {  	_ =	swait.ge [sflag:s6], $0x4000  }
0x5c: {  	[sflag:s6] =	ssyncset.done $0x0  }
0x5d: {  	s18 =	sadd.s32 $0x1000, s28;
	[sflag:s6] =	ssyncadd.s32 $0xFFFFC000  }
0x5e: {  	[hbm4b:s18+s1] =	stream.linear.scatter [tilespmem:s2], [sflag:$0x6], $0x4000, $0x38;
	[tilespmem:$0x1DCA8] =	vst v63  }
0x5f: {  	_ =	swait.ge [sflag:s14], $0x4000  }
0x60: {  	[sflag:s14] =	ssyncset.done $0x0  }
0x61: {  	s19 =	simm.s32 $0x380;
	[sflag:s14] =	ssyncadd.s32 $0xFFFFC000  }
0x62: {  	[tilespmem:s8], [sflag:$0x4] =	stream.indirect.gather [spmem:s23], $0x80, s19, s0, $0xb8;
	[tilespmem:$0x1DCA8] =	vst v63  }
0x63: {  	_ =	swait.ge [sflag:s9], $0x4000  }
0x64: {  	s16 =	simm.s32 $0x800;
	[sflag:s9] =	ssyncset.done $0x0  }
0x65: {  	s17 =	sadd.s32 $0x2000, s28;
	s18 =	sadd.s32 $0x1800, s28;
	[sflag:s9] =	ssyncadd.s32 $0xFFFFC000  }
.LBB2_2:
0x66: {  	[hbm4b:s18+s1] =	stream.linear.scatter [tilespmem:s5], [sflag:$0x7], $0x4000, $0x38;
	[tilespmem:$0x1DCA8] =	vst v63  }
0x67: {  	s18 =	smov.u32 s16  }
0x68: {  	p1 =	sne.s32 s16, $0xB800;
	s16 =	sadd.s32 $0x800, s16;
	_ =	swait.ge [sflag:s10], $0x4000  }
0x69: {  	s18 =	sshra.s32 s18, $0x2;
	[sflag:s10] =	ssyncset.done $0x0  }
0x6a: {  	s19 =	sadd.s32 $0x200, s18;
	[sflag:s10] =	ssyncadd.s32 $0xFFFFC000  }
0x6b: {  	[tilespmem:s20], [sflag:$0x1] =	stream.indirect.gather [spmem:s23], $0x80, s19, s0, $0xb8;
	[tilespmem:$0x1DCA8] =	vst v63  }
0x6c: {  	_ =	swait.ge [sflag:s11], $0x4000  }
0x6d: {  	[sflag:s11] =	ssyncset.done $0x0  }
0x6e: {  	[sflag:s11] =	ssyncadd.s32 $0xFFFFC000  }
0x6f: {  	[hbm4b:s17+s1] =	stream.linear.scatter [tilespmem:s8], [sflag:$0x8], $0x4000, $0x38;
	[tilespmem:$0x1DCA8] =	vst v63  }
0x70: {  	_ =	swait.ge [sflag:s12], $0x4000  }
0x71: {  	[sflag:s12] =	ssyncset.done $0x0  }
0x72: {  	s19 =	sadd.s32 $0x280, s18;
	[sflag:s12] =	ssyncadd.s32 $0xFFFFC000  }
0x73: {  	[tilespmem:s2], [sflag:$0x2] =	stream.indirect.gather [spmem:s23], $0x80, s19, s0, $0xb8;
	[tilespmem:$0x1DCA8] =	vst v63  }
0x74: {  	_ =	swait.ge [sflag:s3], $0x4000  }
0x75: {  	[sflag:s3] =	ssyncset.done $0x0  }
0x76: {  	s19 =	sadd.s32 $0x800, s17;
	[sflag:s3] =	ssyncadd.s32 $0xFFFFC000  }
0x77: {  	[hbm4b:s19+s1] =	stream.linear.scatter [tilespmem:s20], [sflag:$0x5], $0x4000, $0x38;
	[tilespmem:$0x1DCA8] =	vst v63  }
0x78: {  	_ =	swait.ge [sflag:s13], $0x4000  }
0x79: {  	[sflag:s13] =	ssyncset.done $0x0  }
0x7a: {  	s19 =	sadd.s32 $0x300, s18;
	[sflag:s13] =	ssyncadd.s32 $0xFFFFC000  }
0x7b: {  	[tilespmem:s5], [sflag:$0x3] =	stream.indirect.gather [spmem:s23], $0x80, s19, s0, $0xb8;
	[tilespmem:$0x1DCA8] =	vst v63  }
0x7c: {  	_ =	swait.ge [sflag:s6], $0x4000  }
0x7d: {  	[sflag:s6] =	ssyncset.done $0x0  }
0x7e: {  	s19 =	sadd.s32 $0x1000, s17;
	[sflag:s6] =	ssyncadd.s32 $0xFFFFC000  }
0x7f: {  	[hbm4b:s19+s1] =	stream.linear.scatter [tilespmem:s2], [sflag:$0x6], $0x4000, $0x38;
	[tilespmem:$0x1DCA8] =	vst v63  }
0x80: {  	_ =	swait.ge [sflag:s14], $0x4000  }
0x81: {  	[sflag:s14] =	ssyncset.done $0x0  }
.Ltmp0:
0x82: {  	s18 =	sadd.s32 $0x380, s18;
	[sflag:s14] =	ssyncadd.s32 $0xFFFFC000;
	(pc) =	sbr.rel @p1 .LBB2_2-.Ltmp0, $4  }
0x83: {  	[tilespmem:s8], [sflag:$0x4] =	stream.indirect.gather [spmem:s23], $0x80, s18, s0, $0xb8;
	[tilespmem:$0x1DCA8] =	vst v63  }
0x84: {  	_ =	swait.ge [sflag:s9], $0x4000  }
0x85: {  	[sflag:s9] =	ssyncset.done $0x0  }
0x86: {  	s18 =	sadd.s32 $0x1800, s17;
	s17 =	sadd.s32 $0x2000, s17;
	[sflag:s9] =	ssyncadd.s32 $0xFFFFC000  }
0x87: {  	[hbm4b:s18+s1] =	stream.linear.scatter [tilespmem:s5], [sflag:$0x7], $0x4000, $0x38;
	[tilespmem:$0x1DCA8] =	vst v63  }
0x88: {  	_ =	swait.ge [sflag:s10], $0x4000  }
0x89: {  	[sflag:s10] =	ssyncset.done $0x0  }
0x8a: {  	[sflag:s10] =	ssyncadd.s32 $0xFFFFC000  }
0x8b: {  	_ =	swait.ge [sflag:s11], $0x4000  }
0x8c: {  	[sflag:s11] =	ssyncset.done $0x0  }
0x8d: {  	s16 =	simm.s32 $0x0;
	s17 =	rddreg [dreg:$0xd];
	[sflag:s11] =	ssyncadd.s32 $0xFFFFC000  }
0x8e: {  	[hbm4b:s17+s16] =	stream.linear.scatter [tilespmem:s8], [sflag:$0x8], $0x4000, $0x38;
	[tilespmem:$0x1DCA8] =	vst v63  }
0x8f: {  	s18 =	rddreg [dreg:$0xe]  }
0x90: {  	[tilespmem:s16], [sflag:$0x9] =	stream.linear.gather [hbm4b:s18+s16], $0x3200, $0x38;
	[tilespmem:$0x1DCA8] =	vst v63  }
0x91: {  	_ =	swait.ge [sflag:s24], $0x3200  }
0x92: {  	[sflag:s24] =	ssyncset.done $0x0  }
0x93: {  	[sflag:s24] =	ssyncadd.s32 $0xFFFFCE00  }
0x94: {  	[tilespmem:s20], [sflag:$0x1] =	stream.indirect.gather [spmem:s25], $0x80, s16, s0, $0xb8;
	[tilespmem:$0x1DCA8] =	vst v63  }
0x95: {  	_ =	swait.ge [sflag:s12], $0x4000  }
0x96: {  	[sflag:s12] =	ssyncset.done $0x0  }
0x97: {  	[sflag:s12] =	ssyncadd.s32 $0xFFFFC000  }
0x98: {  	[tilespmem:s2], [sflag:$0x2] =	stream.indirect.gather [spmem:s25], $0x80, s0, s0, $0xb8;
	[tilespmem:$0x1DCA8] =	vst v63  }
0x99: {  	_ =	swait.ge [sflag:s3], $0x4000  }
0x9a: {  	[sflag:s3] =	ssyncset.done $0x0  }
0x9b: {  	s19 =	rddreg [dreg:$0xf];
	[sflag:s3] =	ssyncadd.s32 $0xFFFFC000  }
0x9c: {  	[hbm4b:s19+s16] =	stream.linear.scatter [tilespmem:s20], [sflag:$0x5], $0x4000, $0x38;
	[tilespmem:$0x1DCA8] =	vst v63  }
0x9d: {  	_ =	swait.ge [sflag:s13], $0x4000  }
0x9e: {  	[sflag:s13] =	ssyncset.done $0x0  }
0x9f: {  	[sflag:s13] =	ssyncadd.s32 $0xFFFFC000  }
0xa0: {  	[tilespmem:s5], [sflag:$0x3] =	stream.indirect.gather [spmem:s25], $0x80, s4, s0, $0xb8;
	[tilespmem:$0x1DCA8] =	vst v63  }
0xa1: {  	_ =	swait.ge [sflag:s6], $0x4000  }
0xa2: {  	[sflag:s6] =	ssyncset.done $0x0  }
0xa3: {  	s18 =	rddreg [dreg:$0x10];
	[sflag:s6] =	ssyncadd.s32 $0xFFFFC000  }
0xa4: {  	[hbm4b:s18+s16] =	stream.linear.scatter [tilespmem:s2], [sflag:$0x6], $0x4000, $0x38;
	[tilespmem:$0x1DCA8] =	vst v63  }
0xa5: {  	_ =	swait.ge [sflag:s14], $0x4000  }
0xa6: {  	[sflag:s14] =	ssyncset.done $0x0  }
0xa7: {  	[sflag:s14] =	ssyncadd.s32 $0xFFFFC000  }
0xa8: {  	[tilespmem:s8], [sflag:$0x4] =	stream.indirect.gather [spmem:s25], $0x80, s7, s0, $0xb8;
	[tilespmem:$0x1DCA8] =	vst v63  }
0xa9: {  	_ =	swait.ge [sflag:s9], $0x4000  }
0xaa: {  	[sflag:s9] =	ssyncset.done $0x0  }
0xab: {  	s19 =	rddreg [dreg:$0x11];
	[sflag:s9] =	ssyncadd.s32 $0xFFFFC000  }
0xac: {  	[hbm4b:s19+s16] =	stream.linear.scatter [tilespmem:s5], [sflag:$0x7], $0x4000, $0x38;
	[tilespmem:$0x1DCA8] =	vst v63  }
0xad: {  	_ =	swait.ge [sflag:s10], $0x4000  }
0xae: {  	[sflag:s10] =	ssyncset.done $0x0  }
0xaf: {  	s17 =	simm.s32 $0x200;
	[sflag:s10] =	ssyncadd.s32 $0xFFFFC000  }
0xb0: {  	[tilespmem:s20], [sflag:$0x1] =	stream.indirect.gather [spmem:s25], $0x80, s17, s0, $0xb8;
	[tilespmem:$0x1DCA8] =	vst v63  }
0xb1: {  	_ =	swait.ge [sflag:s11], $0x4000  }
0xb2: {  	[sflag:s11] =	ssyncset.done $0x0  }
0xb3: {  	[sflag:s11] =	ssyncadd.s32 $0xFFFFC000  }
0xb4: {  	[hbm4b:s30+s1] =	stream.linear.scatter [tilespmem:s8], [sflag:$0x8], $0x4000, $0x38;
	[tilespmem:$0x1DCA8] =	vst v63  }
0xb5: {  	_ =	swait.ge [sflag:s12], $0x4000  }
0xb6: {  	[sflag:s12] =	ssyncset.done $0x0  }
0xb7: {  	s18 =	simm.s32 $0x280;
	[sflag:s12] =	ssyncadd.s32 $0xFFFFC000  }
0xb8: {  	[tilespmem:s2], [sflag:$0x2] =	stream.indirect.gather [spmem:s25], $0x80, s18, s0, $0xb8;
	[tilespmem:$0x1DCA8] =	vst v63  }
0xb9: {  	_ =	swait.ge [sflag:s3], $0x4000  }
0xba: {  	[sflag:s3] =	ssyncset.done $0x0  }
0xbb: {  	s19 =	sadd.s32 $0x800, s30;
	[sflag:s3] =	ssyncadd.s32 $0xFFFFC000  }
0xbc: {  	[hbm4b:s19+s1] =	stream.linear.scatter [tilespmem:s20], [sflag:$0x5], $0x4000, $0x38;
	[tilespmem:$0x1DCA8] =	vst v63  }
0xbd: {  	_ =	swait.ge [sflag:s13], $0x4000  }
0xbe: {  	[sflag:s13] =	ssyncset.done $0x0  }
0xbf: {  	s17 =	simm.s32 $0x300;
	[sflag:s13] =	ssyncadd.s32 $0xFFFFC000  }
0xc0: {  	[tilespmem:s5], [sflag:$0x3] =	stream.indirect.gather [spmem:s25], $0x80, s17, s0, $0xb8;
	[tilespmem:$0x1DCA8] =	vst v63  }
0xc1: {  	_ =	swait.ge [sflag:s6], $0x4000  }
0xc2: {  	[sflag:s6] =	ssyncset.done $0x0  }
0xc3: {  	s18 =	sadd.s32 $0x1000, s30;
	[sflag:s6] =	ssyncadd.s32 $0xFFFFC000  }
0xc4: {  	[hbm4b:s18+s1] =	stream.linear.scatter [tilespmem:s2], [sflag:$0x6], $0x4000, $0x38;
	[tilespmem:$0x1DCA8] =	vst v63  }
0xc5: {  	_ =	swait.ge [sflag:s14], $0x4000  }
0xc6: {  	[sflag:s14] =	ssyncset.done $0x0  }
0xc7: {  	s19 =	simm.s32 $0x380;
	[sflag:s14] =	ssyncadd.s32 $0xFFFFC000  }
0xc8: {  	[tilespmem:s8], [sflag:$0x4] =	stream.indirect.gather [spmem:s25], $0x80, s19, s0, $0xb8;
	[tilespmem:$0x1DCA8] =	vst v63  }
0xc9: {  	_ =	swait.ge [sflag:s9], $0x4000  }
0xca: {  	s16 =	simm.s32 $0x800;
	[sflag:s9] =	ssyncset.done $0x0  }
0xcb: {  	s17 =	sadd.s32 $0x2000, s30;
	s18 =	sadd.s32 $0x1800, s30;
	[sflag:s9] =	ssyncadd.s32 $0xFFFFC000  }
.LBB2_4:
0xcc: {  	[hbm4b:s18+s1] =	stream.linear.scatter [tilespmem:s5], [sflag:$0x7], $0x4000, $0x38;
	[tilespmem:$0x1DCA8] =	vst v63  }
0xcd: {  	s18 =	smov.u32 s16  }
0xce: {  	p1 =	sne.s32 s16, $0xB800;
	s16 =	sadd.s32 $0x800, s16;
	_ =	swait.ge [sflag:s10], $0x4000  }
0xcf: {  	s18 =	sshra.s32 s18, $0x2;
	[sflag:s10] =	ssyncset.done $0x0  }
0xd0: {  	s19 =	sadd.s32 $0x200, s18;
	[sflag:s10] =	ssyncadd.s32 $0xFFFFC000  }
0xd1: {  	[tilespmem:s20], [sflag:$0x1] =	stream.indirect.gather [spmem:s25], $0x80, s19, s0, $0xb8;
	[tilespmem:$0x1DCA8] =	vst v63  }
0xd2: {  	_ =	swait.ge [sflag:s11], $0x4000  }
0xd3: {  	[sflag:s11] =	ssyncset.done $0x0  }
0xd4: {  	[sflag:s11] =	ssyncadd.s32 $0xFFFFC000  }
0xd5: {  	[hbm4b:s17+s1] =	stream.linear.scatter [tilespmem:s8], [sflag:$0x8], $0x4000, $0x38;
	[tilespmem:$0x1DCA8] =	vst v63  }
0xd6: {  	_ =	swait.ge [sflag:s12], $0x4000  }
0xd7: {  	[sflag:s12] =	ssyncset.done $0x0  }
0xd8: {  	s19 =	sadd.s32 $0x280, s18;
	[sflag:s12] =	ssyncadd.s32 $0xFFFFC000  }
0xd9: {  	[tilespmem:s2], [sflag:$0x2] =	stream.indirect.gather [spmem:s25], $0x80, s19, s0, $0xb8;
	[tilespmem:$0x1DCA8] =	vst v63  }
0xda: {  	_ =	swait.ge [sflag:s3], $0x4000  }
0xdb: {  	[sflag:s3] =	ssyncset.done $0x0  }
0xdc: {  	s19 =	sadd.s32 $0x800, s17;
	[sflag:s3] =	ssyncadd.s32 $0xFFFFC000  }
0xdd: {  	[hbm4b:s19+s1] =	stream.linear.scatter [tilespmem:s20], [sflag:$0x5], $0x4000, $0x38;
	[tilespmem:$0x1DCA8] =	vst v63  }
0xde: {  	_ =	swait.ge [sflag:s13], $0x4000  }
0xdf: {  	[sflag:s13] =	ssyncset.done $0x0  }
0xe0: {  	s19 =	sadd.s32 $0x300, s18;
	[sflag:s13] =	ssyncadd.s32 $0xFFFFC000  }
0xe1: {  	[tilespmem:s5], [sflag:$0x3] =	stream.indirect.gather [spmem:s25], $0x80, s19, s0, $0xb8;
	[tilespmem:$0x1DCA8] =	vst v63  }
0xe2: {  	_ =	swait.ge [sflag:s6], $0x4000  }
0xe3: {  	[sflag:s6] =	ssyncset.done $0x0  }
0xe4: {  	s19 =	sadd.s32 $0x1000, s17;
	[sflag:s6] =	ssyncadd.s32 $0xFFFFC000  }
0xe5: {  	[hbm4b:s19+s1] =	stream.linear.scatter [tilespmem:s2], [sflag:$0x6], $0x4000, $0x38;
	[tilespmem:$0x1DCA8] =	vst v63  }
0xe6: {  	_ =	swait.ge [sflag:s14], $0x4000  }
0xe7: {  	[sflag:s14] =	ssyncset.done $0x0  }
.Ltmp1:
0xe8: {  	s18 =	sadd.s32 $0x380, s18;
	[sflag:s14] =	ssyncadd.s32 $0xFFFFC000;
	(pc) =	sbr.rel @p1 .LBB2_4-.Ltmp1, $4  }
0xe9: {  	[tilespmem:s8], [sflag:$0x4] =	stream.indirect.gather [spmem:s25], $0x80, s18, s0, $0xb8;
	[tilespmem:$0x1DCA8] =	vst v63  }
0xea: {  	_ =	swait.ge [sflag:s9], $0x4000  }
0xeb: {  	[sflag:s9] =	ssyncset.done $0x0  }
0xec: {  	s18 =	sadd.s32 $0x1800, s17;
	s17 =	sadd.s32 $0x2000, s17;
	[sflag:s9] =	ssyncadd.s32 $0xFFFFC000  }
0xed: {  	[hbm4b:s18+s1] =	stream.linear.scatter [tilespmem:s5], [sflag:$0x7], $0x4000, $0x38;
	[tilespmem:$0x1DCA8] =	vst v63  }
0xee: {  	_ =	swait.ge [sflag:s10], $0x4000  }
0xef: {  	[sflag:s10] =	ssyncset.done $0x0  }
0xf0: {  	[sflag:s10] =	ssyncadd.s32 $0xFFFFC000  }
0xf1: {  	_ =	swait.ge [sflag:s11], $0x4000  }
0xf2: {  	[sflag:s11] =	ssyncset.done $0x0  }
0xf3: {  	s16 =	simm.s32 $0x0;
	s17 =	rddreg [dreg:$0x12];
	[sflag:s11] =	ssyncadd.s32 $0xFFFFC000  }
0xf4: {  	[hbm4b:s17+s16] =	stream.linear.scatter [tilespmem:s8], [sflag:$0x8], $0x4000, $0x38;
	[tilespmem:$0x1DCA8] =	vst v63  }
0xf5: {  	s18 =	rddreg [dreg:$0x13]  }
0xf6: {  	[tilespmem:s16], [sflag:$0x9] =	stream.linear.gather [hbm4b:s18+s16], $0x3200, $0x38;
	[tilespmem:$0x1DCA8] =	vst v63  }
0xf7: {  	_ =	swait.ge [sflag:s24], $0x3200  }
0xf8: {  	[sflag:s24] =	ssyncset.done $0x0  }
0xf9: {  	[sflag:s24] =	ssyncadd.s32 $0xFFFFCE00  }
0xfa: {  	[tilespmem:s20], [sflag:$0x1] =	stream.indirect.gather [spmem:s23], $0x80, s16, s0, $0xb8;
	[tilespmem:$0x1DCA8] =	vst v63  }
0xfb: {  	_ =	swait.ge [sflag:s12], $0x4000  }
0xfc: {  	[sflag:s12] =	ssyncset.done $0x0  }
0xfd: {  	[sflag:s12] =	ssyncadd.s32 $0xFFFFC000  }
0xfe: {  	[tilespmem:s2], [sflag:$0x2] =	stream.indirect.gather [spmem:s23], $0x80, s0, s0, $0xb8;
	[tilespmem:$0x1DCA8] =	vst v63  }
0xff: {  	_ =	swait.ge [sflag:s3], $0x4000  }
0x100: {  	[sflag:s3] =	ssyncset.done $0x0  }
0x101: {  	s19 =	rddreg [dreg:$0x14];
	[sflag:s3] =	ssyncadd.s32 $0xFFFFC000  }
0x102: {  	[hbm4b:s19+s16] =	stream.linear.scatter [tilespmem:s20], [sflag:$0x5], $0x4000, $0x38;
	[tilespmem:$0x1DCA8] =	vst v63  }
0x103: {  	_ =	swait.ge [sflag:s13], $0x4000  }
0x104: {  	[sflag:s13] =	ssyncset.done $0x0  }
0x105: {  	[sflag:s13] =	ssyncadd.s32 $0xFFFFC000  }
0x106: {  	[tilespmem:s5], [sflag:$0x3] =	stream.indirect.gather [spmem:s23], $0x80, s4, s0, $0xb8;
	[tilespmem:$0x1DCA8] =	vst v63  }
0x107: {  	_ =	swait.ge [sflag:s6], $0x4000  }
0x108: {  	[sflag:s6] =	ssyncset.done $0x0  }
0x109: {  	s18 =	rddreg [dreg:$0x15];
	[sflag:s6] =	ssyncadd.s32 $0xFFFFC000  }
0x10a: {  	[hbm4b:s18+s16] =	stream.linear.scatter [tilespmem:s2], [sflag:$0x6], $0x4000, $0x38;
	[tilespmem:$0x1DCA8] =	vst v63  }
0x10b: {  	_ =	swait.ge [sflag:s14], $0x4000  }
0x10c: {  	[sflag:s14] =	ssyncset.done $0x0  }
0x10d: {  	[sflag:s14] =	ssyncadd.s32 $0xFFFFC000  }
0x10e: {  	[tilespmem:s8], [sflag:$0x4] =	stream.indirect.gather [spmem:s23], $0x80, s7, s0, $0xb8;
	[tilespmem:$0x1DCA8] =	vst v63  }
0x10f: {  	_ =	swait.ge [sflag:s9], $0x4000  }
0x110: {  	[sflag:s9] =	ssyncset.done $0x0  }
0x111: {  	s19 =	rddreg [dreg:$0x17];
	[sflag:s9] =	ssyncadd.s32 $0xFFFFC000  }
0x112: {  	[hbm4b:s19+s16] =	stream.linear.scatter [tilespmem:s5], [sflag:$0x7], $0x4000, $0x38;
	[tilespmem:$0x1DCA8] =	vst v63  }
0x113: {  	_ =	swait.ge [sflag:s10], $0x4000  }
0x114: {  	[sflag:s10] =	ssyncset.done $0x0  }
0x115: {  	s17 =	simm.s32 $0x200;
	[sflag:s10] =	ssyncadd.s32 $0xFFFFC000  }
0x116: {  	[tilespmem:s20], [sflag:$0x1] =	stream.indirect.gather [spmem:s23], $0x80, s17, s0, $0xb8;
	[tilespmem:$0x1DCA8] =	vst v63  }
0x117: {  	_ =	swait.ge [sflag:s11], $0x4000  }
0x118: {  	[sflag:s11] =	ssyncset.done $0x0  }
0x119: {  	[sflag:s11] =	ssyncadd.s32 $0xFFFFC000  }
0x11a: {  	[hbm4b:s29+s1] =	stream.linear.scatter [tilespmem:s8], [sflag:$0x8], $0x4000, $0x38;
	[tilespmem:$0x1DCA8] =	vst v63  }
0x11b: {  	_ =	swait.ge [sflag:s12], $0x4000  }
0x11c: {  	[sflag:s12] =	ssyncset.done $0x0  }
0x11d: {  	s18 =	simm.s32 $0x280;
	[sflag:s12] =	ssyncadd.s32 $0xFFFFC000  }
0x11e: {  	[tilespmem:s2], [sflag:$0x2] =	stream.indirect.gather [spmem:s23], $0x80, s18, s0, $0xb8;
	[tilespmem:$0x1DCA8] =	vst v63  }
0x11f: {  	_ =	swait.ge [sflag:s3], $0x4000  }
0x120: {  	[sflag:s3] =	ssyncset.done $0x0  }
0x121: {  	s19 =	sadd.s32 $0x800, s29;
	[sflag:s3] =	ssyncadd.s32 $0xFFFFC000  }
0x122: {  	[hbm4b:s19+s1] =	stream.linear.scatter [tilespmem:s20], [sflag:$0x5], $0x4000, $0x38;
	[tilespmem:$0x1DCA8] =	vst v63  }
0x123: {  	_ =	swait.ge [sflag:s13], $0x4000  }
0x124: {  	[sflag:s13] =	ssyncset.done $0x0  }
0x125: {  	s17 =	simm.s32 $0x300;
	[sflag:s13] =	ssyncadd.s32 $0xFFFFC000  }
0x126: {  	[tilespmem:s5], [sflag:$0x3] =	stream.indirect.gather [spmem:s23], $0x80, s17, s0, $0xb8;
	[tilespmem:$0x1DCA8] =	vst v63  }
0x127: {  	_ =	swait.ge [sflag:s6], $0x4000  }
0x128: {  	[sflag:s6] =	ssyncset.done $0x0  }
0x129: {  	s18 =	sadd.s32 $0x1000, s29;
	[sflag:s6] =	ssyncadd.s32 $0xFFFFC000  }
0x12a: {  	[hbm4b:s18+s1] =	stream.linear.scatter [tilespmem:s2], [sflag:$0x6], $0x4000, $0x38;
	[tilespmem:$0x1DCA8] =	vst v63  }
0x12b: {  	_ =	swait.ge [sflag:s14], $0x4000  }
0x12c: {  	[sflag:s14] =	ssyncset.done $0x0  }
0x12d: {  	s19 =	simm.s32 $0x380;
	[sflag:s14] =	ssyncadd.s32 $0xFFFFC000  }
0x12e: {  	[tilespmem:s8], [sflag:$0x4] =	stream.indirect.gather [spmem:s23], $0x80, s19, s0, $0xb8;
	[tilespmem:$0x1DCA8] =	vst v63  }
0x12f: {  	_ =	swait.ge [sflag:s9], $0x4000  }
0x130: {  	s16 =	simm.s32 $0x800;
	[sflag:s9] =	ssyncset.done $0x0  }
0x131: {  	s17 =	sadd.s32 $0x2000, s29;
	s18 =	sadd.s32 $0x1800, s29;
	[sflag:s9] =	ssyncadd.s32 $0xFFFFC000  }
.LBB2_6:
0x132: {  	[hbm4b:s18+s1] =	stream.linear.scatter [tilespmem:s5], [sflag:$0x7], $0x4000, $0x38;
	[tilespmem:$0x1DCA8] =	vst v63  }
0x133: {  	s18 =	smov.u32 s16  }
0x134: {  	p1 =	sne.s32 s16, $0xB800;
	s16 =	sadd.s32 $0x800, s16;
	_ =	swait.ge [sflag:s10], $0x4000  }
0x135: {  	s18 =	sshra.s32 s18, $0x2;
	[sflag:s10] =	ssyncset.done $0x0  }
0x136: {  	s19 =	sadd.s32 $0x200, s18;
	[sflag:s10] =	ssyncadd.s32 $0xFFFFC000  }
0x137: {  	[tilespmem:s20], [sflag:$0x1] =	stream.indirect.gather [spmem:s23], $0x80, s19, s0, $0xb8;
	[tilespmem:$0x1DCA8] =	vst v63  }
0x138: {  	_ =	swait.ge [sflag:s11], $0x4000  }
0x139: {  	[sflag:s11] =	ssyncset.done $0x0  }
0x13a: {  	[sflag:s11] =	ssyncadd.s32 $0xFFFFC000  }
0x13b: {  	[hbm4b:s17+s1] =	stream.linear.scatter [tilespmem:s8], [sflag:$0x8], $0x4000, $0x38;
	[tilespmem:$0x1DCA8] =	vst v63  }
0x13c: {  	_ =	swait.ge [sflag:s12], $0x4000  }
0x13d: {  	[sflag:s12] =	ssyncset.done $0x0  }
0x13e: {  	s19 =	sadd.s32 $0x280, s18;
	[sflag:s12] =	ssyncadd.s32 $0xFFFFC000  }
0x13f: {  	[tilespmem:s2], [sflag:$0x2] =	stream.indirect.gather [spmem:s23], $0x80, s19, s0, $0xb8;
	[tilespmem:$0x1DCA8] =	vst v63  }
0x140: {  	_ =	swait.ge [sflag:s3], $0x4000  }
0x141: {  	[sflag:s3] =	ssyncset.done $0x0  }
0x142: {  	s19 =	sadd.s32 $0x800, s17;
	[sflag:s3] =	ssyncadd.s32 $0xFFFFC000  }
0x143: {  	[hbm4b:s19+s1] =	stream.linear.scatter [tilespmem:s20], [sflag:$0x5], $0x4000, $0x38;
	[tilespmem:$0x1DCA8] =	vst v63  }
0x144: {  	_ =	swait.ge [sflag:s13], $0x4000  }
0x145: {  	[sflag:s13] =	ssyncset.done $0x0  }
0x146: {  	s19 =	sadd.s32 $0x300, s18;
	[sflag:s13] =	ssyncadd.s32 $0xFFFFC000  }
0x147: {  	[tilespmem:s5], [sflag:$0x3] =	stream.indirect.gather [spmem:s23], $0x80, s19, s0, $0xb8;
	[tilespmem:$0x1DCA8] =	vst v63  }
0x148: {  	_ =	swait.ge [sflag:s6], $0x4000  }
0x149: {  	[sflag:s6] =	ssyncset.done $0x0  }
0x14a: {  	s19 =	sadd.s32 $0x1000, s17;
	[sflag:s6] =	ssyncadd.s32 $0xFFFFC000  }
0x14b: {  	[hbm4b:s19+s1] =	stream.linear.scatter [tilespmem:s2], [sflag:$0x6], $0x4000, $0x38;
	[tilespmem:$0x1DCA8] =	vst v63  }
0x14c: {  	_ =	swait.ge [sflag:s14], $0x4000  }
0x14d: {  	[sflag:s14] =	ssyncset.done $0x0  }
.Ltmp2:
0x14e: {  	s18 =	sadd.s32 $0x380, s18;
	[sflag:s14] =	ssyncadd.s32 $0xFFFFC000;
	(pc) =	sbr.rel @p1 .LBB2_6-.Ltmp2, $4  }
0x14f: {  	[tilespmem:s8], [sflag:$0x4] =	stream.indirect.gather [spmem:s23], $0x80, s18, s0, $0xb8;
	[tilespmem:$0x1DCA8] =	vst v63  }
0x150: {  	_ =	swait.ge [sflag:s9], $0x4000  }
0x151: {  	[sflag:s9] =	ssyncset.done $0x0  }
0x152: {  	s18 =	sadd.s32 $0x1800, s17;
	s17 =	sadd.s32 $0x2000, s17;
	[sflag:s9] =	ssyncadd.s32 $0xFFFFC000  }
0x153: {  	[hbm4b:s18+s1] =	stream.linear.scatter [tilespmem:s5], [sflag:$0x7], $0x4000, $0x38;
	[tilespmem:$0x1DCA8] =	vst v63  }
0x154: {  	_ =	swait.ge [sflag:s10], $0x4000  }
0x155: {  	[sflag:s10] =	ssyncset.done $0x0  }
0x156: {  	[sflag:s10] =	ssyncadd.s32 $0xFFFFC000  }
0x157: {  	_ =	swait.ge [sflag:s11], $0x4000  }
0x158: {  	[sflag:s11] =	ssyncset.done $0x0  }
0x159: {  	s16 =	simm.s32 $0x0;
	[sflag:s11] =	ssyncadd.s32 $0xFFFFC000  }
0x15a: {  	[hbm4b:s21+s16] =	stream.linear.scatter [tilespmem:s8], [sflag:$0x8], $0x4000, $0x38;
	[tilespmem:$0x1DCA8] =	vst v63  }
0x15b: {  	s17 =	rddreg [dreg:$0x16]  }
0x15c: {  	[tilespmem:s16], [sflag:$0x9] =	stream.linear.gather [hbm4b:s17+s16], $0x3200, $0x38;
	[tilespmem:$0x1DCA8] =	vst v63  }
0x15d: {  	_ =	swait.ge [sflag:s24], $0x3200  }
0x15e: {  	[sflag:s24] =	ssyncset.done $0x0  }
0x15f: {  	[sflag:s24] =	ssyncadd.s32 $0xFFFFCE00  }
0x160: {  	[tilespmem:s20], [sflag:$0x1] =	stream.indirect.gather [spmem:s25], $0x80, s16, s0, $0xb8;
	[tilespmem:$0x1DCA8] =	vst v63  }
0x161: {  	_ =	swait.ge [sflag:s12], $0x4000  }
0x162: {  	[sflag:s12] =	ssyncset.done $0x0  }
0x163: {  	[sflag:s12] =	ssyncadd.s32 $0xFFFFC000  }
0x164: {  	[tilespmem:s2], [sflag:$0x2] =	stream.indirect.gather [spmem:s25], $0x80, s0, s0, $0xb8;
	[tilespmem:$0x1DCA8] =	vst v63  }
0x165: {  	_ =	swait.ge [sflag:s3], $0x4000  }
0x166: {  	[sflag:s3] =	ssyncset.done $0x0  }
0x167: {  	s19 =	rddreg [dreg:$0x18];
	[sflag:s3] =	ssyncadd.s32 $0xFFFFC000  }
0x168: {  	[hbm4b:s19+s16] =	stream.linear.scatter [tilespmem:s20], [sflag:$0x5], $0x4000, $0x38;
	[tilespmem:$0x1DCA8] =	vst v63  }
0x169: {  	_ =	swait.ge [sflag:s13], $0x4000  }
0x16a: {  	[sflag:s13] =	ssyncset.done $0x0  }
0x16b: {  	[sflag:s13] =	ssyncadd.s32 $0xFFFFC000  }
0x16c: {  	[tilespmem:s5], [sflag:$0x3] =	stream.indirect.gather [spmem:s25], $0x80, s4, s0, $0xb8;
	[tilespmem:$0x1DCA8] =	vst v63  }
0x16d: {  	_ =	swait.ge [sflag:s6], $0x4000  }
0x16e: {  	[sflag:s6] =	ssyncset.done $0x0  }
0x16f: {  	s18 =	rddreg [dreg:$0x19];
	[sflag:s6] =	ssyncadd.s32 $0xFFFFC000  }
0x170: {  	[hbm4b:s18+s16] =	stream.linear.scatter [tilespmem:s2], [sflag:$0x6], $0x4000, $0x38;
	[tilespmem:$0x1DCA8] =	vst v63  }
0x171: {  	_ =	swait.ge [sflag:s14], $0x4000  }
0x172: {  	[sflag:s14] =	ssyncset.done $0x0  }
0x173: {  	[sflag:s14] =	ssyncadd.s32 $0xFFFFC000  }
0x174: {  	[tilespmem:s8], [sflag:$0x4] =	stream.indirect.gather [spmem:s25], $0x80, s7, s0, $0xb8;
	[tilespmem:$0x1DCA8] =	vst v63  }
0x175: {  	_ =	swait.ge [sflag:s9], $0x4000  }
0x176: {  	[sflag:s9] =	ssyncset.done $0x0  }
0x177: {  	s19 =	rddreg [dreg:$0x1a];
	[sflag:s9] =	ssyncadd.s32 $0xFFFFC000  }
0x178: {  	[hbm4b:s19+s16] =	stream.linear.scatter [tilespmem:s5], [sflag:$0x7], $0x4000, $0x38;
	[tilespmem:$0x1DCA8] =	vst v63  }
0x179: {  	_ =	swait.ge [sflag:s10], $0x4000  }
0x17a: {  	[sflag:s10] =	ssyncset.done $0x0  }
0x17b: {  	s17 =	simm.s32 $0x200;
	[sflag:s10] =	ssyncadd.s32 $0xFFFFC000  }
0x17c: {  	[tilespmem:s20], [sflag:$0x1] =	stream.indirect.gather [spmem:s25], $0x80, s17, s0, $0xb8;
	[tilespmem:$0x1DCA8] =	vst v63  }
0x17d: {  	_ =	swait.ge [sflag:s11], $0x4000  }
0x17e: {  	[sflag:s11] =	ssyncset.done $0x0  }
0x17f: {  	[sflag:s11] =	ssyncadd.s32 $0xFFFFC000  }
0x180: {  	[hbm4b:s31+s1] =	stream.linear.scatter [tilespmem:s8], [sflag:$0x8], $0x4000, $0x38;
	[tilespmem:$0x1DCA8] =	vst v63  }
0x181: {  	_ =	swait.ge [sflag:s12], $0x4000  }
0x182: {  	[sflag:s12] =	ssyncset.done $0x0  }
0x183: {  	s18 =	simm.s32 $0x280;
	[sflag:s12] =	ssyncadd.s32 $0xFFFFC000  }
0x184: {  	[tilespmem:s2], [sflag:$0x2] =	stream.indirect.gather [spmem:s25], $0x80, s18, s0, $0xb8;
	[tilespmem:$0x1DCA8] =	vst v63  }
0x185: {  	_ =	swait.ge [sflag:s3], $0x4000  }
0x186: {  	[sflag:s3] =	ssyncset.done $0x0  }
0x187: {  	s19 =	sadd.s32 $0x800, s31;
	[sflag:s3] =	ssyncadd.s32 $0xFFFFC000  }
0x188: {  	[hbm4b:s19+s1] =	stream.linear.scatter [tilespmem:s20], [sflag:$0x5], $0x4000, $0x38;
	[tilespmem:$0x1DCA8] =	vst v63  }
0x189: {  	_ =	swait.ge [sflag:s13], $0x4000  }
0x18a: {  	[sflag:s13] =	ssyncset.done $0x0  }
0x18b: {  	s17 =	simm.s32 $0x300;
	[sflag:s13] =	ssyncadd.s32 $0xFFFFC000  }
0x18c: {  	[tilespmem:s5], [sflag:$0x3] =	stream.indirect.gather [spmem:s25], $0x80, s17, s0, $0xb8;
	[tilespmem:$0x1DCA8] =	vst v63  }
0x18d: {  	_ =	swait.ge [sflag:s6], $0x4000  }
0x18e: {  	[sflag:s6] =	ssyncset.done $0x0  }
0x18f: {  	s18 =	sadd.s32 $0x1000, s31;
	[sflag:s6] =	ssyncadd.s32 $0xFFFFC000  }
0x190: {  	[hbm4b:s18+s1] =	stream.linear.scatter [tilespmem:s2], [sflag:$0x6], $0x4000, $0x38;
	[tilespmem:$0x1DCA8] =	vst v63  }
0x191: {  	_ =	swait.ge [sflag:s14], $0x4000  }
0x192: {  	[sflag:s14] =	ssyncset.done $0x0  }
0x193: {  	s19 =	simm.s32 $0x380;
	[sflag:s14] =	ssyncadd.s32 $0xFFFFC000  }
0x194: {  	[tilespmem:s8], [sflag:$0x4] =	stream.indirect.gather [spmem:s25], $0x80, s19, s0, $0xb8;
	[tilespmem:$0x1DCA8] =	vst v63  }
0x195: {  	_ =	swait.ge [sflag:s9], $0x4000  }
0x196: {  	s16 =	simm.s32 $0x800;
	[sflag:s9] =	ssyncset.done $0x0  }
0x197: {  	s17 =	sadd.s32 $0x2000, s31;
	s18 =	sadd.s32 $0x1800, s31;
	[sflag:s9] =	ssyncadd.s32 $0xFFFFC000  }
.LBB2_8:
0x198: {  	[hbm4b:s18+s1] =	stream.linear.scatter [tilespmem:s5], [sflag:$0x7], $0x4000, $0x38;
	[tilespmem:$0x1DCA8] =	vst v63  }
0x199: {  	s18 =	smov.u32 s16  }
0x19a: {  	p1 =	sne.s32 s16, $0xB800;
	s16 =	sadd.s32 $0x800, s16;
	_ =	swait.ge [sflag:s10], $0x4000  }
0x19b: {  	s18 =	sshra.s32 s18, $0x2;
	[sflag:s10] =	ssyncset.done $0x0  }
0x19c: {  	s19 =	sadd.s32 $0x200, s18;
	[sflag:s10] =	ssyncadd.s32 $0xFFFFC000  }
0x19d: {  	[tilespmem:s20], [sflag:$0x1] =	stream.indirect.gather [spmem:s25], $0x80, s19, s0, $0xb8;
	[tilespmem:$0x1DCA8] =	vst v63  }
0x19e: {  	_ =	swait.ge [sflag:s11], $0x4000  }
0x19f: {  	[sflag:s11] =	ssyncset.done $0x0  }
0x1a0: {  	[sflag:s11] =	ssyncadd.s32 $0xFFFFC000  }
0x1a1: {  	[hbm4b:s17+s1] =	stream.linear.scatter [tilespmem:s8], [sflag:$0x8], $0x4000, $0x38;
	[tilespmem:$0x1DCA8] =	vst v63  }
0x1a2: {  	_ =	swait.ge [sflag:s12], $0x4000  }
0x1a3: {  	[sflag:s12] =	ssyncset.done $0x0  }
0x1a4: {  	s19 =	sadd.s32 $0x280, s18;
	[sflag:s12] =	ssyncadd.s32 $0xFFFFC000  }
0x1a5: {  	[tilespmem:s2], [sflag:$0x2] =	stream.indirect.gather [spmem:s25], $0x80, s19, s0, $0xb8;
	[tilespmem:$0x1DCA8] =	vst v63  }
0x1a6: {  	_ =	swait.ge [sflag:s3], $0x4000  }
0x1a7: {  	[sflag:s3] =	ssyncset.done $0x0  }
0x1a8: {  	s19 =	sadd.s32 $0x800, s17;
	[sflag:s3] =	ssyncadd.s32 $0xFFFFC000  }
0x1a9: {  	[hbm4b:s19+s1] =	stream.linear.scatter [tilespmem:s20], [sflag:$0x5], $0x4000, $0x38;
	[tilespmem:$0x1DCA8] =	vst v63  }
0x1aa: {  	_ =	swait.ge [sflag:s13], $0x4000  }
0x1ab: {  	[sflag:s13] =	ssyncset.done $0x0  }
0x1ac: {  	s19 =	sadd.s32 $0x300, s18;
	[sflag:s13] =	ssyncadd.s32 $0xFFFFC000  }
0x1ad: {  	[tilespmem:s5], [sflag:$0x3] =	stream.indirect.gather [spmem:s25], $0x80, s19, s0, $0xb8;
	[tilespmem:$0x1DCA8] =	vst v63  }
0x1ae: {  	_ =	swait.ge [sflag:s6], $0x4000  }
0x1af: {  	[sflag:s6] =	ssyncset.done $0x0  }
0x1b0: {  	s19 =	sadd.s32 $0x1000, s17;
	[sflag:s6] =	ssyncadd.s32 $0xFFFFC000  }
0x1b1: {  	[hbm4b:s19+s1] =	stream.linear.scatter [tilespmem:s2], [sflag:$0x6], $0x4000, $0x38;
	[tilespmem:$0x1DCA8] =	vst v63  }
0x1b2: {  	_ =	swait.ge [sflag:s14], $0x4000  }
0x1b3: {  	[sflag:s14] =	ssyncset.done $0x0  }
.Ltmp3:
0x1b4: {  	s18 =	sadd.s32 $0x380, s18;
	[sflag:s14] =	ssyncadd.s32 $0xFFFFC000;
	(pc) =	sbr.rel @p1 .LBB2_8-.Ltmp3, $4  }
0x1b5: {  	[tilespmem:s8], [sflag:$0x4] =	stream.indirect.gather [spmem:s25], $0x80, s18, s0, $0xb8;
	[tilespmem:$0x1DCA8] =	vst v63  }
0x1b6: {  	_ =	swait.ge [sflag:s9], $0x4000  }
0x1b7: {  	[sflag:s9] =	ssyncset.done $0x0  }
0x1b8: {  	s18 =	sadd.s32 $0x1800, s17;
	s17 =	sadd.s32 $0x2000, s17;
	[sflag:s9] =	ssyncadd.s32 $0xFFFFC000  }
0x1b9: {  	[hbm4b:s18+s1] =	stream.linear.scatter [tilespmem:s5], [sflag:$0x7], $0x4000, $0x38;
	[tilespmem:$0x1DCA8] =	vst v63  }
0x1ba: {  	_ =	swait.ge [sflag:s10], $0x4000  }
0x1bb: {  	[sflag:s10] =	ssyncset.done $0x0  }
0x1bc: {  	[sflag:s10] =	ssyncadd.s32 $0xFFFFC000  }
0x1bd: {  	_ =	swait.ge [sflag:s11], $0x4000  }
0x1be: {  	[sflag:s11] =	ssyncset.done $0x0  }
0x1bf: {  	[sflag:s11] =	ssyncadd.s32 $0xFFFFC000  }
0x1c0: {  	[hbm4b:s22+s1] =	stream.linear.scatter [tilespmem:s8], [sflag:$0x8], $0x4000, $0x38;
	[tilespmem:$0x1DCA8] =	vst v63  }
0x1c1: {  	_ =	swait.ge [sflag:s12], $0x4000  }
0x1c2: {  	[sflag:s12] =	ssyncset.done $0x0  }
0x1c3: {  	s15 =	sadd.s32 $0x1, s15;
	[sflag:s12] =	ssyncadd.s32 $0xFFFFC000  }
0x1c4: {  	p1 =	sne.s32 s15, s26;
	_ =	swait.ge [sflag:s13], $0x4000  }
.Ltmp4:
0x1c5: {  	[sflag:s13] =	ssyncset.done $0x0;
	(pc) =	sbr.rel @p1 .LBB2_1-.Ltmp4, $4  }
0x1c6: {  	[sflag:s13] =	ssyncadd.s32 $0xFFFFC000  }
0x1c7: {  	_ =	swait.ge [sflag:s14], $0x4000  }
0x1c8: {  	[sflag:s14] =	ssyncset.done $0x0  }
0x1c9: {  	[sflag:s14] =	ssyncadd.s32 $0xFFFFC000  }
0x1ca: {  	_ =	sfence.sel $0x180000  }
0x1cb: {  	[bflag:$0x0] =	sbarrier.arrive $0xFFFF  }
0x1cc: {  	_ =	strace $0x90000047  }
0x1cd: {  	[bflag:$0x2] =	sbarrier.arrive $0xFFFF  }
0x1ce: {  	s0 =	rddreg [dreg:$0x8]  }
0x1cf: {  	s0 =	sadd.s32 @!p0 $0x100000, s0  }
0x1d0: {  	[sflag:s0] =	ssyncadd.tile.s32 @!p0 $0x1;
	_ =	shalt  }
.Lfunc_end2:
_tile_overlayer_lowered:
.L_overlay_start_2:
0x1d1: {  	(tag) =	ssettag $0x2  }
0x1d2: {  	s0 =	rddreg [dreg:$0x0];
	s2 =	stileid.u32  }
0x1d3: {  	s1 =	rddreg [dreg:$0x1];
	p0 =	sne.s32 s2, $0x0  }
0x1d4: {  	s3 =	rddreg [dreg:$0x2];
	[bflag:$0x3] =	sbarrier.arrive $0xFFFF;
	s2 =	simm.s32 @!p0 $0x1C09  }
0x1d5: {  	[timem:s3], [sflag:s2] =	dma.local @!p0 [hbm:s0], s1  }
0x1d6: {  	s0 =	simm.s32 @!p0 $0x9  }
0x1d7: {  	_ =	swait.ge @!p0 [sflag:s0], s1  }
0x1d8: {  	s1 =	ssub.s32 @!p0 $0x0, s1;
	[sflag:s0] =	ssyncset.done @!p0 $0x0  }
0x1d9: {  	[sflag:s0] =	ssyncadd.s32 @!p0 s1  }
0x1da: {  	[bflag:$0x3] =	sbarrier.arrive $0xFFFF  }
0x1db: {  	_ =	shalt  }

</sc_bundles>
